<compile_context>
chip_gen: v7x
topology: tpu7x:2x2x1
jax: 0.10.2.dev20260603
libtpu: 0.0.44.dev20260713+nightly
codegen_flags: <defaults>
</compile_context>

<pallas_src>
import functools

import jax
import jax.numpy as jnp
from jax import lax
from jax.experimental import pallas as pl
from jax.experimental.pallas import tpu as pltpu
from jax.experimental.pallas import tpu_sc as plsc

N_NODES = 100000
D = 128
S = 512
TILE = 128
NUM_TILES = N_NODES // TILE
TAIL = N_NODES - NUM_TILES * TILE
NC = 2
NS = 16
NW = NC * NS
ROWS_PER_SUBCORE = S // NS


def _sc_segment_partials(x, batch):
    mesh = plsc.VectorSubcoreMesh(core_axis_name="c", subcore_axis_name="s")

    base_tiles = NUM_TILES // NW
    rem_tiles = NUM_TILES - base_tiles * NW
    max_tiles = base_tiles + 1
    NBUF = 6
    LOOK = 3

    @functools.partial(
        pl.kernel,
        out_type=jax.ShapeDtypeStruct((NC, S, D), jnp.float32),
        mesh=mesh,
        scratch_types=[
            pltpu.VMEM((NBUF, TILE), jnp.int32),
            pltpu.VMEM((NBUF, TILE, D), jnp.float32),
            pltpu.VMEM((ROWS_PER_SUBCORE, D), jnp.float32),
            pltpu.VMEM_SHARED((S, D), jnp.float32),
            pltpu.SemaphoreType.DMA((NBUF,)),
            pltpu.SemaphoreType.DMA((NBUF,)),
            pltpu.SemaphoreType.DMA((NBUF,)),
        ],
    )
    def k(x_hbm, b_hbm, out_hbm, idx_v, rows_v, zb_v, acc_sh, lsems, isems, ssems):
        c = lax.axis_index("c")
        s = lax.axis_index("s")
        wid = s * NC + c
        start = wid * base_tiles + jnp.minimum(wid, rem_tiles)
        cnt = jnp.where(wid < rem_tiles, base_tiles + 1, base_tiles)

        def issue_loads(j):
            b = j % NBUF
            pltpu.async_copy(x_hbm.at[pl.ds((start + j) * TILE, TILE)],
                             rows_v.at[b], lsems.at[b])
            pltpu.async_copy(b_hbm.at[pl.ds((start + j) * TILE, TILE)],
                             idx_v.at[b], isems.at[b])

        def wait_rows(sem):
            pltpu.make_async_copy(x_hbm.at[pl.ds(0, TILE)], rows_v.at[0],
                                  sem).wait()

        def wait_ids(sem):
            pltpu.make_async_copy(b_hbm.at[pl.ds(0, TILE)], idx_v.at[0],
                                  sem).wait()

        for j in range(min(LOOK, max_tiles)):
            @pl.when(j < cnt)
            def _(j=j):
                issue_loads(j)

        @pl.loop(0, ROWS_PER_SUBCORE)
        def _(r):
            for v in range(D // 16):
                zb_v[r, pl.ds(v * 16, 16)] = jnp.zeros((16,), jnp.float32)

        pltpu.sync_copy(zb_v, acc_sh.at[pl.ds(s * ROWS_PER_SUBCORE, ROWS_PER_SUBCORE)])
        plsc.subcore_barrier()

        @pl.loop(0, base_tiles // NBUF)
        def _(it):
            jbase = it * NBUF
            for u in range(NBUF):
                j = jbase + u
                wait_rows(lsems.at[u])
                wait_ids(isems.at[u])
                pltpu.async_copy(rows_v.at[u], acc_sh.at[idx_v.at[u]],
                                 ssems.at[u], add=True)

                t = j + LOOK
                tb = (u + LOOK) % NBUF

                def refill(t=t, tb=tb, guard_prev=True):
                    if guard_prev:
                        wait_rows(ssems.at[tb])
                    issue_loads(t)

                if u < NBUF - LOOK:
                    @pl.when(it > 0)
                    def _(t=t, tb=tb):
                        refill(t, tb, True)

                    @pl.when(it == 0)
                    def _(t=t, tb=tb):
                        refill(t, tb, False)
                else:
                    @pl.when(t < cnt)
                    def _(t=t, tb=tb):
                        refill(t, tb, True)

        @pl.when(cnt > base_tiles)
        def _():
            b = base_tiles % NBUF
            wait_rows(lsems.at[b])
            wait_ids(isems.at[b])
            pltpu.async_copy(rows_v.at[b], acc_sh.at[idx_v.at[b]],
                             ssems.at[b], add=True)

        for u in range(NBUF):
            wait_rows(ssems.at[u])

        plsc.subcore_barrier()

        sl = pl.ds(s * ROWS_PER_SUBCORE, ROWS_PER_SUBCORE)
        pltpu.sync_copy(acc_sh.at[sl], out_hbm.at[c, sl])

    return k(x, batch)


def _tc_finish(parts, tail_x, tail_ids, W, b):

    def body(p_ref, tx_ref, ti_ref, w_ref, b_ref, o_ref):
        ids = ti_ref[...]
        iota = lax.broadcasted_iota(jnp.int32, (S, TAIL), 0)
        onehot = (iota == ids).astype(jnp.float32)
        pooled = p_ref[0] + p_ref[1]
        pooled = pooled + lax.dot_general(
            onehot, tx_ref[...], (((1,), (0,)), ((), ())),
            preferred_element_type=jnp.float32)
        o_ref[...] = lax.dot_general(
            pooled, w_ref[...], (((1,), (1,)), ((), ())),
            preferred_element_type=jnp.float32) + b_ref[...]

    return pl.pallas_call(
        body,
        out_shape=jax.ShapeDtypeStruct((S, D), jnp.float32),
    )(parts, tail_x, tail_ids, W, b)


def kernel(x, batch, W, b):
    batch = batch.astype(jnp.int32)
    parts = _sc_segment_partials(x, batch)
    tail_x = x[NUM_TILES * TILE:]
    tail_ids = batch[NUM_TILES * TILE:].reshape(1, TAIL)
    return _tc_finish(parts, tail_x, tail_ids, W, b.reshape(1, D))

# --- scband reference (transcript-rebuilt; emitter-appended) ---
"""Pipeline reference for scband-readout-layer-28449863369260 (READ-ONLY COPY).

The authoritative reference and input builder live on the scoring server;
editing this copy changes nothing except your own understanding.
"""

import jax, jax.numpy as jnp
import numpy as np

N_NODES = 100000
D_IN = 128
D_OUT = 128
NUM_SEGMENTS = 512


def setup_inputs(seed: int = 0) -> dict:
    key = jax.random.key(seed)
    k_x, k_b, k_w, k_bias = jax.random.split(key, 4)
    x = jax.random.normal(k_x, (N_NODES, D_IN), dtype=jnp.float32)
    batch = jnp.sort(jax.random.randint(k_b, (N_NODES,), 0, NUM_SEGMENTS, dtype=jnp.int64))
    # Linear layer params (torch nn.Linear: W [out, in], b [out])
    bound = 1.0 / np.sqrt(D_IN)
    W = jax.random.uniform(k_w, (D_OUT, D_IN), minval=-bound, maxval=bound, dtype=jnp.float32)
    b = jax.random.uniform(k_bias, (D_OUT,), minval=-bound, maxval=bound, dtype=jnp.float32)
    return {"x": x, "batch": batch, "W": W, "b": b}


def reference(x, batch, W, b):
    # global_add_pool: sum node features per graph (segment sum)
    pooled = jax.ops.segment_sum(x, batch, num_segments=NUM_SEGMENTS)
    # fc: Linear(in_channels, out_channels)
    out = pooled @ W.T + b
    return out

if __name__ == "__main__":
    import jax
    _d = setup_inputs()
    print(jax.jit(kernel)(*tuple(_d.values())))

</pallas_src>

<mosaic_0001>
#map = affine_map<(d0, d1) -> (0, 0)>
#map1 = affine_map<(d0, d1) -> (0)>
#map2 = affine_map<(d0, d1) -> (0, 0, 0)>
module attributes {stable_mosaic.version = 14 : i64} {
  func.func @k(%arg0: i32, %arg1: i32, %arg2: memref<100000x128xf32, #tpu.memory_space<hbm>>, %arg3: memref<100000xi32, #tpu.memory_space<hbm>>, %arg4: memref<2x512x128xf32, #tpu.memory_space<hbm>>, %arg5: memref<6x128xi32, #tpu.memory_space<vmem>>, %arg6: memref<6x128x128xf32, #tpu.memory_space<vmem>>, %arg7: memref<32x128xf32, #tpu.memory_space<vmem>>, %arg8: memref<512x128xf32, #tpu.memory_space<vmem_shared>>, %arg9: memref<6x!tpu.dma_semaphore, #tpu.memory_space<semaphore_mem>>, %arg10: memref<6x!tpu.dma_semaphore, #tpu.memory_space<semaphore_mem>>, %arg11: memref<6x!tpu.dma_semaphore, #tpu.memory_space<semaphore_mem>>) attributes {dimension_semantics = [#tpu.dimension_semantics<core_parallel>, #tpu.dimension_semantics<subcore_parallel>], iteration_bounds = array<i64: 2, 16>, scalar_prefetch = 0 : i64, scratch_operands = 7 : i64, tpu.core_type = #tpu.core_type<sc_vector_subcore>, window_params = [{transform_indices = #map}, {transform_indices = #map1}, {transform_indices = #map2}]} {
    %mul3A = arith.constant 2 : i32
    %mul3A_0 = arith.muli %arg1, %mul3A : i32
    %add3A = arith.addi %mul3A_0, %arg0 : i32
    %mul3A_1 = arith.constant 24 : i32
    %mul3A_2 = arith.muli %add3A, %mul3A_1 : i32
    %min3A = arith.constant 13 : i32
    %min3A_3 = arith.minsi %add3A, %min3A : i32
    %add3A_4 = arith.addi %mul3A_2, %min3A_3 : i32
    %lt3A = arith.constant 13 : i32
    %lt3A_5 = arith.cmpi slt, %add3A, %lt3A : i32
    %jit3A = arith.constant 25 : i32
    %jit3A_6 = arith.constant 24 : i32
    %select_n3A = arith.select %lt3A_5, %jit3A, %jit3A_6 : i32
    %gt3A = arith.constant 0 : i32
    %gt3A_7 = arith.cmpi sgt, %select_n3A, %gt3A : i32
    %convert_element_type3A = arith.extui %gt3A_7 : i1 to i32
    %cond3A = arith.constant 0 : i32
    %cond3A_8 = arith.cmpi ne, %convert_element_type3A, %cond3A : i32
    scf.if %cond3A_8 {
      %add3A_145 = arith.constant 0 : i32
      %add3A_146 = arith.addi %add3A_4, %add3A_145 : i32
      %mul3A_147 = arith.constant 128 : i32
      %mul3A_148 = arith.muli %add3A_146, %mul3A_147 : i32
      %dma_start3A = arith.constant 0 : i32
      %dma_start3A_149 = arith.constant 0 : i32
      %dma_start3A_150 = arith.constant 0 : i32
      %dma_start3A_151 = arith.constant 0 : i32
      %dma_start3A_152 = tpu.memref_slice %arg6[%dma_start3A, %dma_start3A_150, %dma_start3A_151] : memref<6x128x128xf32, #tpu.memory_space<vmem>> -> memref<1x128x128xf32, #tpu.memory_space<vmem>>
      %dma_start3A_153 = tpu.memref_squeeze %dma_start3A_152 : memref<1x128x128xf32, #tpu.memory_space<vmem>> -> memref<128x128xf32, #tpu.memory_space<vmem>>
      %dma_start3A_154 = arith.constant 0 : i32
      %dma_start3A_155 = tpu.memref_slice %arg2[%mul3A_148, %dma_start3A_154] : memref<100000x128xf32, #tpu.memory_space<hbm>> -> memref<128x128xf32, #tpu.memory_space<hbm>>
      %dma_start3A_156 = tpu.memref_slice %arg9[%dma_start3A_149] : memref<6x!tpu.dma_semaphore, #tpu.memory_space<semaphore_mem>> -> memref<1x!tpu.dma_semaphore, #tpu.memory_space<semaphore_mem>>
      %dma_start3A_157 = tpu.memref_squeeze %dma_start3A_156 : memref<1x!tpu.dma_semaphore, #tpu.memory_space<semaphore_mem>> -> memref<!tpu.dma_semaphore, #tpu.memory_space<semaphore_mem>>
      %dma_start3A_158 = arith.constant 0 : i32
      %dma_start3A_159 = arith.constant 0 : i32
      %dma_start3A_160 = tpu.memref_slice %arg6[%dma_start3A, %dma_start3A_158, %dma_start3A_159] : memref<6x128x128xf32, #tpu.memory_space<vmem>> -> memref<1x128x128xf32, #tpu.memory_space<vmem>>
      %dma_start3A_161 = tpu.memref_squeeze %dma_start3A_160 : memref<1x128x128xf32, #tpu.memory_space<vmem>> -> memref<128x128xf32, #tpu.memory_space<vmem>>
      %dma_start3A_162 = arith.constant 0 : i32
      %dma_start3A_163 = tpu.memref_slice %arg2[%mul3A_148, %dma_start3A_162] : memref<100000x128xf32, #tpu.memory_space<hbm>> -> memref<128x128xf32, #tpu.memory_space<hbm>>
      tpu.enqueue_dma source(%dma_start3A_163 : memref<128x128xf32, #tpu.memory_space<hbm>>) target(%dma_start3A_161 : memref<128x128xf32, #tpu.memory_space<vmem>>) target_semaphore(%dma_start3A_157 : memref<!tpu.dma_semaphore, #tpu.memory_space<semaphore_mem>>)
      %add3A_164 = arith.constant 0 : i32
      %add3A_165 = arith.addi %add3A_4, %add3A_164 : i32
      %mul3A_166 = arith.constant 128 : i32
      %mul3A_167 = arith.muli %add3A_165, %mul3A_166 : i32
      %dma_start3A_168 = arith.constant 0 : i32
      %dma_start3A_169 = arith.constant 0 : i32
      %dma_start3A_170 = arith.constant 0 : i32
      %dma_start3A_171 = tpu.memref_slice %arg5[%dma_start3A_168, %dma_start3A_170] : memref<6x128xi32, #tpu.memory_space<vmem>> -> memref<1x128xi32, #tpu.memory_space<vmem>>
      %dma_start3A_172 = tpu.memref_squeeze %dma_start3A_171 : memref<1x128xi32, #tpu.memory_space<vmem>> -> memref<128xi32, #tpu.memory_space<vmem>>
      %dma_start3A_173 = tpu.memref_slice %arg3[%mul3A_167] : memref<100000xi32, #tpu.memory_space<hbm>> -> memref<128xi32, #tpu.memory_space<hbm>>
      %dma_start3A_174 = tpu.memref_slice %arg10[%dma_start3A_169] : memref<6x!tpu.dma_semaphore, #tpu.memory_space<semaphore_mem>> -> memref<1x!tpu.dma_semaphore, #tpu.memory_space<semaphore_mem>>
      %dma_start3A_175 = tpu.memref_squeeze %dma_start3A_174 : memref<1x!tpu.dma_semaphore, #tpu.memory_space<semaphore_mem>> -> memref<!tpu.dma_semaphore, #tpu.memory_space<semaphore_mem>>
      %dma_start3A_176 = arith.constant 0 : i32
      %dma_start3A_177 = tpu.memref_slice %arg5[%dma_start3A_168, %dma_start3A_176] : memref<6x128xi32, #tpu.memory_space<vmem>> -> memref<1x128xi32, #tpu.memory_space<vmem>>
      %dma_start3A_178 = tpu.memref_squeeze %dma_start3A_177 : memref<1x128xi32, #tpu.memory_space<vmem>> -> memref<128xi32, #tpu.memory_space<vmem>>
      %dma_start3A_179 = tpu.memref_slice %arg3[%mul3A_167] : memref<100000xi32, #tpu.memory_space<hbm>> -> memref<128xi32, #tpu.memory_space<hbm>>
      tpu.enqueue_dma source(%dma_start3A_179 : memref<128xi32, #tpu.memory_space<hbm>>) target(%dma_start3A_178 : memref<128xi32, #tpu.memory_space<vmem>>) target_semaphore(%dma_start3A_175 : memref<!tpu.dma_semaphore, #tpu.memory_space<semaphore_mem>>)
    } else {
    }
    %gt3A_9 = arith.constant 1 : i32
    %gt3A_10 = arith.cmpi sgt, %select_n3A, %gt3A_9 : i32
    %convert_element_type3A_11 = arith.extui %gt3A_10 : i1 to i32
    %cond3A_12 = arith.constant 0 : i32
    %cond3A_13 = arith.cmpi ne, %convert_element_type3A_11, %cond3A_12 : i32
    scf.if %cond3A_13 {
      %add3A_145 = arith.constant 1 : i32
      %add3A_146 = arith.addi %add3A_4, %add3A_145 : i32
      %mul3A_147 = arith.constant 128 : i32
      %mul3A_148 = arith.muli %add3A_146, %mul3A_147 : i32
      %dma_start3A = arith.constant 1 : i32
      %dma_start3A_149 = arith.constant 1 : i32
      %dma_start3A_150 = arith.constant 0 : i32
      %dma_start3A_151 = arith.constant 0 : i32
      %dma_start3A_152 = tpu.memref_slice %arg6[%dma_start3A, %dma_start3A_150, %dma_start3A_151] : memref<6x128x128xf32, #tpu.memory_space<vmem>> -> memref<1x128x128xf32, #tpu.memory_space<vmem>>
      %dma_start3A_153 = tpu.memref_squeeze %dma_start3A_152 : memref<1x128x128xf32, #tpu.memory_space<vmem>> -> memref<128x128xf32, #tpu.memory_space<vmem>>
      %dma_start3A_154 = arith.constant 0 : i32
      %dma_start3A_155 = tpu.memref_slice %arg2[%mul3A_148, %dma_start3A_154] : memref<100000x128xf32, #tpu.memory_space<hbm>> -> memref<128x128xf32, #tpu.memory_space<hbm>>
      %dma_start3A_156 = tpu.memref_slice %arg9[%dma_start3A_149] : memref<6x!tpu.dma_semaphore, #tpu.memory_space<semaphore_mem>> -> memref<1x!tpu.dma_semaphore, #tpu.memory_space<semaphore_mem>>
      %dma_start3A_157 = tpu.memref_squeeze %dma_start3A_156 : memref<1x!tpu.dma_semaphore, #tpu.memory_space<semaphore_mem>> -> memref<!tpu.dma_semaphore, #tpu.memory_space<semaphore_mem>>
      %dma_start3A_158 = arith.constant 0 : i32
      %dma_start3A_159 = arith.constant 0 : i32
      %dma_start3A_160 = tpu.memref_slice %arg6[%dma_start3A, %dma_start3A_158, %dma_start3A_159] : memref<6x128x128xf32, #tpu.memory_space<vmem>> -> memref<1x128x128xf32, #tpu.memory_space<vmem>>
      %dma_start3A_161 = tpu.memref_squeeze %dma_start3A_160 : memref<1x128x128xf32, #tpu.memory_space<vmem>> -> memref<128x128xf32, #tpu.memory_space<vmem>>
      %dma_start3A_162 = arith.constant 0 : i32
      %dma_start3A_163 = tpu.memref_slice %arg2[%mul3A_148, %dma_start3A_162] : memref<100000x128xf32, #tpu.memory_space<hbm>> -> memref<128x128xf32, #tpu.memory_space<hbm>>
      tpu.enqueue_dma source(%dma_start3A_163 : memref<128x128xf32, #tpu.memory_space<hbm>>) target(%dma_start3A_161 : memref<128x128xf32, #tpu.memory_space<vmem>>) target_semaphore(%dma_start3A_157 : memref<!tpu.dma_semaphore, #tpu.memory_space<semaphore_mem>>)
      %add3A_164 = arith.constant 1 : i32
      %add3A_165 = arith.addi %add3A_4, %add3A_164 : i32
      %mul3A_166 = arith.constant 128 : i32
      %mul3A_167 = arith.muli %add3A_165, %mul3A_166 : i32
      %dma_start3A_168 = arith.constant 1 : i32
      %dma_start3A_169 = arith.constant 1 : i32
      %dma_start3A_170 = arith.constant 0 : i32
      %dma_start3A_171 = tpu.memref_slice %arg5[%dma_start3A_168, %dma_start3A_170] : memref<6x128xi32, #tpu.memory_space<vmem>> -> memref<1x128xi32, #tpu.memory_space<vmem>>
      %dma_start3A_172 = tpu.memref_squeeze %dma_start3A_171 : memref<1x128xi32, #tpu.memory_space<vmem>> -> memref<128xi32, #tpu.memory_space<vmem>>
      %dma_start3A_173 = tpu.memref_slice %arg3[%mul3A_167] : memref<100000xi32, #tpu.memory_space<hbm>> -> memref<128xi32, #tpu.memory_space<hbm>>
      %dma_start3A_174 = tpu.memref_slice %arg10[%dma_start3A_169] : memref<6x!tpu.dma_semaphore, #tpu.memory_space<semaphore_mem>> -> memref<1x!tpu.dma_semaphore, #tpu.memory_space<semaphore_mem>>
      %dma_start3A_175 = tpu.memref_squeeze %dma_start3A_174 : memref<1x!tpu.dma_semaphore, #tpu.memory_space<semaphore_mem>> -> memref<!tpu.dma_semaphore, #tpu.memory_space<semaphore_mem>>
      %dma_start3A_176 = arith.constant 0 : i32
      %dma_start3A_177 = tpu.memref_slice %arg5[%dma_start3A_168, %dma_start3A_176] : memref<6x128xi32, #tpu.memory_space<vmem>> -> memref<1x128xi32, #tpu.memory_space<vmem>>
      %dma_start3A_178 = tpu.memref_squeeze %dma_start3A_177 : memref<1x128xi32, #tpu.memory_space<vmem>> -> memref<128xi32, #tpu.memory_space<vmem>>
      %dma_start3A_179 = tpu.memref_slice %arg3[%mul3A_167] : memref<100000xi32, #tpu.memory_space<hbm>> -> memref<128xi32, #tpu.memory_space<hbm>>
      tpu.enqueue_dma source(%dma_start3A_179 : memref<128xi32, #tpu.memory_space<hbm>>) target(%dma_start3A_178 : memref<128xi32, #tpu.memory_space<vmem>>) target_semaphore(%dma_start3A_175 : memref<!tpu.dma_semaphore, #tpu.memory_space<semaphore_mem>>)
    } else {
    }
    %gt3A_14 = arith.constant 2 : i32
    %gt3A_15 = arith.cmpi sgt, %select_n3A, %gt3A_14 : i32
    %convert_element_type3A_16 = arith.extui %gt3A_15 : i1 to i32
    %cond3A_17 = arith.constant 0 : i32
    %cond3A_18 = arith.cmpi ne, %convert_element_type3A_16, %cond3A_17 : i32
    scf.if %cond3A_18 {
      %add3A_145 = arith.constant 2 : i32
      %add3A_146 = arith.addi %add3A_4, %add3A_145 : i32
      %mul3A_147 = arith.constant 128 : i32
      %mul3A_148 = arith.muli %add3A_146, %mul3A_147 : i32
      %dma_start3A = arith.constant 2 : i32
      %dma_start3A_149 = arith.constant 2 : i32
      %dma_start3A_150 = arith.constant 0 : i32
      %dma_start3A_151 = arith.constant 0 : i32
      %dma_start3A_152 = tpu.memref_slice %arg6[%dma_start3A, %dma_start3A_150, %dma_start3A_151] : memref<6x128x128xf32, #tpu.memory_space<vmem>> -> memref<1x128x128xf32, #tpu.memory_space<vmem>>
      %dma_start3A_153 = tpu.memref_squeeze %dma_start3A_152 : memref<1x128x128xf32, #tpu.memory_space<vmem>> -> memref<128x128xf32, #tpu.memory_space<vmem>>
      %dma_start3A_154 = arith.constant 0 : i32
      %dma_start3A_155 = tpu.memref_slice %arg2[%mul3A_148, %dma_start3A_154] : memref<100000x128xf32, #tpu.memory_space<hbm>> -> memref<128x128xf32, #tpu.memory_space<hbm>>
      %dma_start3A_156 = tpu.memref_slice %arg9[%dma_start3A_149] : memref<6x!tpu.dma_semaphore, #tpu.memory_space<semaphore_mem>> -> memref<1x!tpu.dma_semaphore, #tpu.memory_space<semaphore_mem>>
      %dma_start3A_157 = tpu.memref_squeeze %dma_start3A_156 : memref<1x!tpu.dma_semaphore, #tpu.memory_space<semaphore_mem>> -> memref<!tpu.dma_semaphore, #tpu.memory_space<semaphore_mem>>
      %dma_start3A_158 = arith.constant 0 : i32
      %dma_start3A_159 = arith.constant 0 : i32
      %dma_start3A_160 = tpu.memref_slice %arg6[%dma_start3A, %dma_start3A_158, %dma_start3A_159] : memref<6x128x128xf32, #tpu.memory_space<vmem>> -> memref<1x128x128xf32, #tpu.memory_space<vmem>>
      %dma_start3A_161 = tpu.memref_squeeze %dma_start3A_160 : memref<1x128x128xf32, #tpu.memory_space<vmem>> -> memref<128x128xf32, #tpu.memory_space<vmem>>
      %dma_start3A_162 = arith.constant 0 : i32
      %dma_start3A_163 = tpu.memref_slice %arg2[%mul3A_148, %dma_start3A_162] : memref<100000x128xf32, #tpu.memory_space<hbm>> -> memref<128x128xf32, #tpu.memory_space<hbm>>
      tpu.enqueue_dma source(%dma_start3A_163 : memref<128x128xf32, #tpu.memory_space<hbm>>) target(%dma_start3A_161 : memref<128x128xf32, #tpu.memory_space<vmem>>) target_semaphore(%dma_start3A_157 : memref<!tpu.dma_semaphore, #tpu.memory_space<semaphore_mem>>)
      %add3A_164 = arith.constant 2 : i32
      %add3A_165 = arith.addi %add3A_4, %add3A_164 : i32
      %mul3A_166 = arith.constant 128 : i32
      %mul3A_167 = arith.muli %add3A_165, %mul3A_166 : i32
      %dma_start3A_168 = arith.constant 2 : i32
      %dma_start3A_169 = arith.constant 2 : i32
      %dma_start3A_170 = arith.constant 0 : i32
      %dma_start3A_171 = tpu.memref_slice %arg5[%dma_start3A_168, %dma_start3A_170] : memref<6x128xi32, #tpu.memory_space<vmem>> -> memref<1x128xi32, #tpu.memory_space<vmem>>
      %dma_start3A_172 = tpu.memref_squeeze %dma_start3A_171 : memref<1x128xi32, #tpu.memory_space<vmem>> -> memref<128xi32, #tpu.memory_space<vmem>>
      %dma_start3A_173 = tpu.memref_slice %arg3[%mul3A_167] : memref<100000xi32, #tpu.memory_space<hbm>> -> memref<128xi32, #tpu.memory_space<hbm>>
      %dma_start3A_174 = tpu.memref_slice %arg10[%dma_start3A_169] : memref<6x!tpu.dma_semaphore, #tpu.memory_space<semaphore_mem>> -> memref<1x!tpu.dma_semaphore, #tpu.memory_space<semaphore_mem>>
      %dma_start3A_175 = tpu.memref_squeeze %dma_start3A_174 : memref<1x!tpu.dma_semaphore, #tpu.memory_space<semaphore_mem>> -> memref<!tpu.dma_semaphore, #tpu.memory_space<semaphore_mem>>
      %dma_start3A_176 = arith.constant 0 : i32
      %dma_start3A_177 = tpu.memref_slice %arg5[%dma_start3A_168, %dma_start3A_176] : memref<6x128xi32, #tpu.memory_space<vmem>> -> memref<1x128xi32, #tpu.memory_space<vmem>>
      %dma_start3A_178 = tpu.memref_squeeze %dma_start3A_177 : memref<1x128xi32, #tpu.memory_space<vmem>> -> memref<128xi32, #tpu.memory_space<vmem>>
      %dma_start3A_179 = tpu.memref_slice %arg3[%mul3A_167] : memref<100000xi32, #tpu.memory_space<hbm>> -> memref<128xi32, #tpu.memory_space<hbm>>
      tpu.enqueue_dma source(%dma_start3A_179 : memref<128xi32, #tpu.memory_space<hbm>>) target(%dma_start3A_178 : memref<128xi32, #tpu.memory_space<vmem>>) target_semaphore(%dma_start3A_175 : memref<!tpu.dma_semaphore, #tpu.memory_space<semaphore_mem>>)
    } else {
    }
    %scan3A = arith.constant 0 : i32
    %scan3A_19 = arith.constant 32 : i32
    %scan3A_20 = arith.addi %scan3A, %scan3A_19 : i32
    %scan3A_21 = arith.constant 1 : i32
    scf.for %scan3A_145 = %scan3A to %scan3A_20 step %scan3A_21  : i32 {
      %mul3A_146 = arith.constant 1 : i32
      %mul3A_147 = arith.muli %scan3A_145, %mul3A_146 : i32
      %add3A_148 = arith.constant 0 : i32
      %add3A_149 = arith.addi %add3A_148, %mul3A_147 : i32
      %broadcast_in_dim3A = arith.constant 0.000000e+00 : f32
      %broadcast_in_dim3A_150 = vector.broadcast %broadcast_in_dim3A : f32 to vector<16xf32>
      %swap3A = arith.index_cast %add3A_149 : i32 to index
      %swap3A_151 = arith.constant 0 : index
      %swap3A_152 = tpu.vector_load %arg7[%swap3A, %swap3A_151] {strides = array<i32>} : memref<32x128xf32, #tpu.memory_space<vmem>>, vector<1x16xf32>,
      %swap3A_153 = vector.shape_cast %swap3A_152 : vector<1x16xf32> to vector<16xf32>
      %swap3A_154 = vector.shape_cast %broadcast_in_dim3A_150 : vector<16xf32> to vector<1x16xf32>
      tpu.vector_store %arg7[%swap3A, %swap3A_151], %swap3A_154 {strides = array<i32>} : memref<32x128xf32, #tpu.memory_space<vmem>>, vector<1x16xf32>,
      %broadcast_in_dim3A_155 = arith.constant 0.000000e+00 : f32
      %broadcast_in_dim3A_156 = vector.broadcast %broadcast_in_dim3A_155 : f32 to vector<16xf32>
      %swap3A_157 = arith.index_cast %add3A_149 : i32 to index
      %swap3A_158 = arith.constant 16 : index
      %swap3A_159 = tpu.vector_load %arg7[%swap3A_157, %swap3A_158] {strides = array<i32>} : memref<32x128xf32, #tpu.memory_space<vmem>>, vector<1x16xf32>,
      %swap3A_160 = vector.shape_cast %swap3A_159 : vector<1x16xf32> to vector<16xf32>
      %swap3A_161 = vector.shape_cast %broadcast_in_dim3A_156 : vector<16xf32> to vector<1x16xf32>
      tpu.vector_store %arg7[%swap3A_157, %swap3A_158], %swap3A_161 {strides = array<i32>} : memref<32x128xf32, #tpu.memory_space<vmem>>, vector<1x16xf32>,
      %broadcast_in_dim3A_162 = arith.constant 0.000000e+00 : f32
      %broadcast_in_dim3A_163 = vector.broadcast %broadcast_in_dim3A_162 : f32 to vector<16xf32>
      %swap3A_164 = arith.index_cast %add3A_149 : i32 to index
      %swap3A_165 = arith.constant 32 : index
      %swap3A_166 = tpu.vector_load %arg7[%swap3A_164, %swap3A_165] {strides = array<i32>} : memref<32x128xf32, #tpu.memory_space<vmem>>, vector<1x16xf32>,
      %swap3A_167 = vector.shape_cast %swap3A_166 : vector<1x16xf32> to vector<16xf32>
      %swap3A_168 = vector.shape_cast %broadcast_in_dim3A_163 : vector<16xf32> to vector<1x16xf32>
      tpu.vector_store %arg7[%swap3A_164, %swap3A_165], %swap3A_168 {strides = array<i32>} : memref<32x128xf32, #tpu.memory_space<vmem>>, vector<1x16xf32>,
      %broadcast_in_dim3A_169 = arith.constant 0.000000e+00 : f32
      %broadcast_in_dim3A_170 = vector.broadcast %broadcast_in_dim3A_169 : f32 to vector<16xf32>
      %swap3A_171 = arith.index_cast %add3A_149 : i32 to index
      %swap3A_172 = arith.constant 48 : index
      %swap3A_173 = tpu.vector_load %arg7[%swap3A_171, %swap3A_172] {strides = array<i32>} : memref<32x128xf32, #tpu.memory_space<vmem>>, vector<1x16xf32>,
      %swap3A_174 = vector.shape_cast %swap3A_173 : vector<1x16xf32> to vector<16xf32>
      %swap3A_175 = vector.shape_cast %broadcast_in_dim3A_170 : vector<16xf32> to vector<1x16xf32>
      tpu.vector_store %arg7[%swap3A_171, %swap3A_172], %swap3A_175 {strides = array<i32>} : memref<32x128xf32, #tpu.memory_space<vmem>>, vector<1x16xf32>,
      %broadcast_in_dim3A_176 = arith.constant 0.000000e+00 : f32
      %broadcast_in_dim3A_177 = vector.broadcast %broadcast_in_dim3A_176 : f32 to vector<16xf32>
      %swap3A_178 = arith.index_cast %add3A_149 : i32 to index
      %swap3A_179 = arith.constant 64 : index
      %swap3A_180 = tpu.vector_load %arg7[%swap3A_178, %swap3A_179] {strides = array<i32>} : memref<32x128xf32, #tpu.memory_space<vmem>>, vector<1x16xf32>,
      %swap3A_181 = vector.shape_cast %swap3A_180 : vector<1x16xf32> to vector<16xf32>
      %swap3A_182 = vector.shape_cast %broadcast_in_dim3A_177 : vector<16xf32> to vector<1x16xf32>
      tpu.vector_store %arg7[%swap3A_178, %swap3A_179], %swap3A_182 {strides = array<i32>} : memref<32x128xf32, #tpu.memory_space<vmem>>, vector<1x16xf32>,
      %broadcast_in_dim3A_183 = arith.constant 0.000000e+00 : f32
      %broadcast_in_dim3A_184 = vector.broadcast %broadcast_in_dim3A_183 : f32 to vector<16xf32>
      %swap3A_185 = arith.index_cast %add3A_149 : i32 to index
      %swap3A_186 = arith.constant 80 : index
      %swap3A_187 = tpu.vector_load %arg7[%swap3A_185, %swap3A_186] {strides = array<i32>} : memref<32x128xf32, #tpu.memory_space<vmem>>, vector<1x16xf32>,
      %swap3A_188 = vector.shape_cast %swap3A_187 : vector<1x16xf32> to vector<16xf32>
      %swap3A_189 = vector.shape_cast %broadcast_in_dim3A_184 : vector<16xf32> to vector<1x16xf32>
      tpu.vector_store %arg7[%swap3A_185, %swap3A_186], %swap3A_189 {strides = array<i32>} : memref<32x128xf32, #tpu.memory_space<vmem>>, vector<1x16xf32>,
      %broadcast_in_dim3A_190 = arith.constant 0.000000e+00 : f32
      %broadcast_in_dim3A_191 = vector.broadcast %broadcast_in_dim3A_190 : f32 to vector<16xf32>
      %swap3A_192 = arith.index_cast %add3A_149 : i32 to index
      %swap3A_193 = arith.constant 96 : index
      %swap3A_194 = tpu.vector_load %arg7[%swap3A_192, %swap3A_193] {strides = array<i32>} : memref<32x128xf32, #tpu.memory_space<vmem>>, vector<1x16xf32>,
      %swap3A_195 = vector.shape_cast %swap3A_194 : vector<1x16xf32> to vector<16xf32>
      %swap3A_196 = vector.shape_cast %broadcast_in_dim3A_191 : vector<16xf32> to vector<1x16xf32>
      tpu.vector_store %arg7[%swap3A_192, %swap3A_193], %swap3A_196 {strides = array<i32>} : memref<32x128xf32, #tpu.memory_space<vmem>>, vector<1x16xf32>,
      %broadcast_in_dim3A_197 = arith.constant 0.000000e+00 : f32
      %broadcast_in_dim3A_198 = vector.broadcast %broadcast_in_dim3A_197 : f32 to vector<16xf32>
      %swap3A_199 = arith.index_cast %add3A_149 : i32 to index
      %swap3A_200 = arith.constant 112 : index
      %swap3A_201 = tpu.vector_load %arg7[%swap3A_199, %swap3A_200] {strides = array<i32>} : memref<32x128xf32, #tpu.memory_space<vmem>>, vector<1x16xf32>,
      %swap3A_202 = vector.shape_cast %swap3A_201 : vector<1x16xf32> to vector<16xf32>
      %swap3A_203 = vector.shape_cast %broadcast_in_dim3A_198 : vector<16xf32> to vector<1x16xf32>
      tpu.vector_store %arg7[%swap3A_199, %swap3A_200], %swap3A_203 {strides = array<i32>} : memref<32x128xf32, #tpu.memory_space<vmem>>, vector<1x16xf32>,
    }
    %scan3A_22 = arith.constant 32 : i32
    %mul3A_23 = arith.constant 32 : i32
    %mul3A_24 = arith.muli %arg1, %mul3A_23 : i32
    "tpu.region"() ({
      %run_scoped3A = tpu.sem_alloc : memref<!tpu.dma_semaphore, #tpu.memory_space<semaphore_mem>>
      %dma_start3A = arith.constant 0 : i32
      %dma_start3A_145 = tpu.memref_slice %arg8[%mul3A_24, %dma_start3A] : memref<512x128xf32, #tpu.memory_space<vmem_shared>> -> memref<32x128xf32, #tpu.memory_space<vmem_shared>>
      %dma_start3A_146 = arith.constant 0 : i32
      %dma_start3A_147 = tpu.memref_slice %arg8[%mul3A_24, %dma_start3A_146] : memref<512x128xf32, #tpu.memory_space<vmem_shared>> -> memref<32x128xf32, #tpu.memory_space<vmem_shared>>
      tpu.enqueue_dma source(%arg7 : memref<32x128xf32, #tpu.memory_space<vmem>>) target(%dma_start3A_147 : memref<32x128xf32, #tpu.memory_space<vmem_shared>>) target_semaphore(%run_scoped3A : memref<!tpu.dma_semaphore, #tpu.memory_space<semaphore_mem>>)
      %dma_wait3A_148 = arith.constant 0 : i32
      %dma_wait3A_149 = tpu.memref_slice %arg8[%mul3A_24, %dma_wait3A_148] : memref<512x128xf32, #tpu.memory_space<vmem_shared>> -> memref<32x128xf32, #tpu.memory_space<vmem_shared>>
      %dma_wait3A_150 = arith.constant 0 : i32
      %dma_wait3A_151 = tpu.memref_slice %arg8[%mul3A_24, %dma_wait3A_150] : memref<512x128xf32, #tpu.memory_space<vmem_shared>> -> memref<32x128xf32, #tpu.memory_space<vmem_shared>>
      tpu.wait_dma2 semaphore(%run_scoped3A : memref<!tpu.dma_semaphore, #tpu.memory_space<semaphore_mem>>) src(%arg7 : memref<32x128xf32, #tpu.memory_space<vmem>>) dst(%dma_wait3A_151 : memref<32x128xf32, #tpu.memory_space<vmem_shared>>)
      tpu.yield
    }) : () -> ()
    %barrier3A = arith.constant 0 : index
    tpu.barrier barrier_id(%barrier3A)
    %scan3A_25 = arith.constant 0 : i32
    %scan3A_26 = arith.constant 4 : i32
    %scan3A_27 = arith.addi %scan3A_25, %scan3A_26 : i32
    %scan3A_28 = arith.constant 1 : i32
    scf.for %scan3A_145 = %scan3A_25 to %scan3A_27 step %scan3A_28  : i32 {
      %mul3A_146 = arith.constant 1 : i32
      %mul3A_147 = arith.muli %scan3A_145, %mul3A_146 : i32
      %add3A_148 = arith.constant 0 : i32
      %add3A_149 = arith.addi %add3A_148, %mul3A_147 : i32
      %mul3A_150 = arith.constant 6 : i32
      %mul3A_151 = arith.muli %add3A_149, %mul3A_150 : i32
      %add3A_152 = arith.constant 0 : i32
      %add3A_153 = arith.addi %mul3A_151, %add3A_152 : i32
      %dma_wait3A_154 = arith.constant 0 : i32
      %dma_wait3A_155 = arith.constant 0 : i32
      %dma_wait3A_156 = arith.constant 0 : i32
      %dma_wait3A_157 = arith.constant 0 : i32
      %dma_wait3A_158 = tpu.memref_slice %arg6[%dma_wait3A_154, %dma_wait3A_156, %dma_wait3A_157] : memref<6x128x128xf32, #tpu.memory_space<vmem>> -> memref<1x128x128xf32, #tpu.memory_space<vmem>>
      %dma_wait3A_159 = tpu.memref_squeeze %dma_wait3A_158 : memref<1x128x128xf32, #tpu.memory_space<vmem>> -> memref<128x128xf32, #tpu.memory_space<vmem>>
      %dma_wait3A_160 = arith.constant 0 : i32
      %dma_wait3A_161 = arith.constant 0 : i32
      %dma_wait3A_162 = tpu.memref_slice %arg2[%dma_wait3A_160, %dma_wait3A_161] : memref<100000x128xf32, #tpu.memory_space<hbm>> -> memref<128x128xf32, #tpu.memory_space<hbm>>
      %dma_wait3A_163 = tpu.memref_slice %arg9[%dma_wait3A_155] : memref<6x!tpu.dma_semaphore, #tpu.memory_space<semaphore_mem>> -> memref<1x!tpu.dma_semaphore, #tpu.memory_space<semaphore_mem>>
      %dma_wait3A_164 = tpu.memref_squeeze %dma_wait3A_163 : memref<1x!tpu.dma_semaphore, #tpu.memory_space<semaphore_mem>> -> memref<!tpu.dma_semaphore, #tpu.memory_space<semaphore_mem>>
      %dma_wait3A_165 = arith.constant 0 : i32
      %dma_wait3A_166 = arith.constant 0 : i32
      %dma_wait3A_167 = tpu.memref_slice %arg6[%dma_wait3A_154, %dma_wait3A_165, %dma_wait3A_166] : memref<6x128x128xf32, #tpu.memory_space<vmem>> -> memref<1x128x128xf32, #tpu.memory_space<vmem>>
      %dma_wait3A_168 = tpu.memref_squeeze %dma_wait3A_167 : memref<1x128x128xf32, #tpu.memory_space<vmem>> -> memref<128x128xf32, #tpu.memory_space<vmem>>
      %dma_wait3A_169 = arith.constant 0 : i32
      %dma_wait3A_170 = arith.constant 0 : i32
      %dma_wait3A_171 = tpu.memref_slice %arg2[%dma_wait3A_169, %dma_wait3A_170] : memref<100000x128xf32, #tpu.memory_space<hbm>> -> memref<128x128xf32, #tpu.memory_space<hbm>>
      tpu.wait_dma2 semaphore(%dma_wait3A_164 : memref<!tpu.dma_semaphore, #tpu.memory_space<semaphore_mem>>) src(%dma_wait3A_171 : memref<128x128xf32, #tpu.memory_space<hbm>>) dst(%dma_wait3A_168 : memref<128x128xf32, #tpu.memory_space<vmem>>)
      %dma_wait3A_172 = arith.constant 0 : i32
      %dma_wait3A_173 = arith.constant 0 : i32
      %dma_wait3A_174 = arith.constant 0 : i32
      %dma_wait3A_175 = tpu.memref_slice %arg5[%dma_wait3A_172, %dma_wait3A_174] : memref<6x128xi32, #tpu.memory_space<vmem>> -> memref<1x128xi32, #tpu.memory_space<vmem>>
      %dma_wait3A_176 = tpu.memref_squeeze %dma_wait3A_175 : memref<1x128xi32, #tpu.memory_space<vmem>> -> memref<128xi32, #tpu.memory_space<vmem>>
      %dma_wait3A_177 = arith.constant 0 : i32
      %dma_wait3A_178 = tpu.memref_slice %arg3[%dma_wait3A_177] : memref<100000xi32, #tpu.memory_space<hbm>> -> memref<128xi32, #tpu.memory_space<hbm>>
      %dma_wait3A_179 = tpu.memref_slice %arg10[%dma_wait3A_173] : memref<6x!tpu.dma_semaphore, #tpu.memory_space<semaphore_mem>> -> memref<1x!tpu.dma_semaphore, #tpu.memory_space<semaphore_mem>>
      %dma_wait3A_180 = tpu.memref_squeeze %dma_wait3A_179 : memref<1x!tpu.dma_semaphore, #tpu.memory_space<semaphore_mem>> -> memref<!tpu.dma_semaphore, #tpu.memory_space<semaphore_mem>>
      %dma_wait3A_181 = arith.constant 0 : i32
      %dma_wait3A_182 = tpu.memref_slice %arg5[%dma_wait3A_172, %dma_wait3A_181] : memref<6x128xi32, #tpu.memory_space<vmem>> -> memref<1x128xi32, #tpu.memory_space<vmem>>
      %dma_wait3A_183 = tpu.memref_squeeze %dma_wait3A_182 : memref<1x128xi32, #tpu.memory_space<vmem>> -> memref<128xi32, #tpu.memory_space<vmem>>
      %dma_wait3A_184 = arith.constant 0 : i32
      %dma_wait3A_185 = tpu.memref_slice %arg3[%dma_wait3A_184] : memref<100000xi32, #tpu.memory_space<hbm>> -> memref<128xi32, #tpu.memory_space<hbm>>
      tpu.wait_dma2 semaphore(%dma_wait3A_180 : memref<!tpu.dma_semaphore, #tpu.memory_space<semaphore_mem>>) src(%dma_wait3A_185 : memref<128xi32, #tpu.memory_space<hbm>>) dst(%dma_wait3A_183 : memref<128xi32, #tpu.memory_space<vmem>>)
      %dma_start3A = arith.constant 0 : i32
      %dma_start3A_186 = arith.constant 0 : i32
      %dma_start3A_187 = arith.constant 0 : i32
      %dma_start3A_188 = arith.constant 0 : i32
      %dma_start3A_189 = arith.constant 0 : i32
      %dma_start3A_190 = tpu.memref_slice %arg6[%dma_start3A, %dma_start3A_188, %dma_start3A_189] : memref<6x128x128xf32, #tpu.memory_space<vmem>> -> memref<1x128x128xf32, #tpu.memory_space<vmem>>
      %dma_start3A_191 = tpu.memref_squeeze %dma_start3A_190 : memref<1x128x128xf32, #tpu.memory_space<vmem>> -> memref<128x128xf32, #tpu.memory_space<vmem>>
      %dma_start3A_192 = arith.constant 0 : i32
      %dma_start3A_193 = tpu.memref_slice %arg5[%dma_start3A_186, %dma_start3A_192] : memref<6x128xi32, #tpu.memory_space<vmem>> -> memref<1x128xi32, #tpu.memory_space<vmem>>
      %dma_start3A_194 = tpu.memref_squeeze %dma_start3A_193 : memref<1x128xi32, #tpu.memory_space<vmem>> -> memref<128xi32, #tpu.memory_space<vmem>>
      %dma_start3A_195 = arith.constant 0 : i32
      %dma_start3A_196 = arith.constant 0 : i32
      %dma_start3A_197 = tpu.memref_slice %arg8[%dma_start3A_195, %dma_start3A_196] : memref<512x128xf32, #tpu.memory_space<vmem_shared>> -> memref<512x128xf32, #tpu.memory_space<vmem_shared>>
      %dma_start3A_198 = tpu.memref_slice %arg11[%dma_start3A_187] : memref<6x!tpu.dma_semaphore, #tpu.memory_space<semaphore_mem>> -> memref<1x!tpu.dma_semaphore, #tpu.memory_space<semaphore_mem>>
      %dma_start3A_199 = tpu.memref_squeeze %dma_start3A_198 : memref<1x!tpu.dma_semaphore, #tpu.memory_space<semaphore_mem>> -> memref<!tpu.dma_semaphore, #tpu.memory_space<semaphore_mem>>
      tpu.enqueue_indirect_dma source(%dma_start3A_191 : memref<128x128xf32, #tpu.memory_space<vmem>>) target(%dma_start3A_197 : memref<512x128xf32, #tpu.memory_space<vmem_shared>>) offsets(%dma_start3A_194 : memref<128xi32, #tpu.memory_space<vmem>>) semaphore(%dma_start3A_199 : memref<!tpu.dma_semaphore, #tpu.memory_space<semaphore_mem>>) {add = true}
      %add3A_200 = arith.constant 3 : i32
      %add3A_201 = arith.addi %add3A_153, %add3A_200 : i32
      %gt3A_202 = arith.constant 0 : i32
      %gt3A_203 = arith.cmpi sgt, %add3A_149, %gt3A_202 : i32
      %convert_element_type3A_204 = arith.extui %gt3A_203 : i1 to i32
      %cond3A_205 = arith.constant 0 : i32
      %cond3A_206 = arith.cmpi ne, %convert_element_type3A_204, %cond3A_205 : i32
      scf.if %cond3A_206 {
        %dma_wait3A_498 = arith.constant 0 : i32
        %dma_wait3A_499 = arith.constant 3 : i32
        %dma_wait3A_500 = arith.constant 0 : i32
        %dma_wait3A_501 = arith.constant 0 : i32
        %dma_wait3A_502 = tpu.memref_slice %arg6[%dma_wait3A_498, %dma_wait3A_500, %dma_wait3A_501] : memref<6x128x128xf32, #tpu.memory_space<vmem>> -> memref<1x128x128xf32, #tpu.memory_space<vmem>>
        %dma_wait3A_503 = tpu.memref_squeeze %dma_wait3A_502 : memref<1x128x128xf32, #tpu.memory_space<vmem>> -> memref<128x128xf32, #tpu.memory_space<vmem>>
        %dma_wait3A_504 = arith.constant 0 : i32
        %dma_wait3A_505 = arith.constant 0 : i32
        %dma_wait3A_506 = tpu.memref_slice %arg2[%dma_wait3A_504, %dma_wait3A_505] : memref<100000x128xf32, #tpu.memory_space<hbm>> -> memref<128x128xf32, #tpu.memory_space<hbm>>
        %dma_wait3A_507 = tpu.memref_slice %arg11[%dma_wait3A_499] : memref<6x!tpu.dma_semaphore, #tpu.memory_space<semaphore_mem>> -> memref<1x!tpu.dma_semaphore, #tpu.memory_space<semaphore_mem>>
        %dma_wait3A_508 = tpu.memref_squeeze %dma_wait3A_507 : memref<1x!tpu.dma_semaphore, #tpu.memory_space<semaphore_mem>> -> memref<!tpu.dma_semaphore, #tpu.memory_space<semaphore_mem>>
        %dma_wait3A_509 = arith.constant 0 : i32
        %dma_wait3A_510 = arith.constant 0 : i32
        %dma_wait3A_511 = tpu.memref_slice %arg6[%dma_wait3A_498, %dma_wait3A_509, %dma_wait3A_510] : memref<6x128x128xf32, #tpu.memory_space<vmem>> -> memref<1x128x128xf32, #tpu.memory_space<vmem>>
        %dma_wait3A_512 = tpu.memref_squeeze %dma_wait3A_511 : memref<1x128x128xf32, #tpu.memory_space<vmem>> -> memref<128x128xf32, #tpu.memory_space<vmem>>
        %dma_wait3A_513 = arith.constant 0 : i32
        %dma_wait3A_514 = arith.constant 0 : i32
        %dma_wait3A_515 = tpu.memref_slice %arg2[%dma_wait3A_513, %dma_wait3A_514] : memref<100000x128xf32, #tpu.memory_space<hbm>> -> memref<128x128xf32, #tpu.memory_space<hbm>>
        tpu.wait_dma2 semaphore(%dma_wait3A_508 : memref<!tpu.dma_semaphore, #tpu.memory_space<semaphore_mem>>) src(%dma_wait3A_515 : memref<128x128xf32, #tpu.memory_space<hbm>>) dst(%dma_wait3A_512 : memref<128x128xf32, #tpu.memory_space<vmem>>)
        %jit3A_516 = arith.constant 6 : i32
        %eq3A_517 = arith.constant 0 : i32
        %eq3A_518 = arith.cmpi eq, %jit3A_516, %eq3A_517 : i32
        %jit3A_519 = arith.constant 1 : i32
        %select_n3A_520 = arith.select %eq3A_518, %jit3A_519, %jit3A_516 : i32
        %rem3A = arith.remsi %add3A_201, %select_n3A_520 : i32
        %ne3A = arith.constant 0 : i32
        %ne3A_521 = arith.cmpi ne, %rem3A, %ne3A : i32
        %lt3A_522 = arith.constant 0 : i32
        %lt3A_523 = arith.cmpi slt, %rem3A, %lt3A_522 : i32
        %lt3A_524 = arith.constant 0 : i32
        %lt3A_525 = arith.cmpi slt, %select_n3A_520, %lt3A_524 : i32
        %ne3A_526 = arith.xori %lt3A_523, %lt3A_525 : i1
        %and3A = arith.andi %ne3A_526, %ne3A_521 : i1
        %add3A_527 = arith.addi %rem3A, %select_n3A_520 : i32
        %select_n3A_528 = arith.select %and3A, %add3A_527, %rem3A : i32
        %add3A_529 = arith.addi %add3A_4, %add3A_201 : i32
        %mul3A_530 = arith.constant 128 : i32
        %mul3A_531 = arith.muli %add3A_529, %mul3A_530 : i32
        %dma_start3A_532 = arith.constant 0 : i32
        %dma_start3A_533 = arith.constant 0 : i32
        %dma_start3A_534 = tpu.memref_slice %arg6[%select_n3A_528, %dma_start3A_532, %dma_start3A_533] : memref<6x128x128xf32, #tpu.memory_space<vmem>> -> memref<1x128x128xf32, #tpu.memory_space<vmem>>
        %dma_start3A_535 = tpu.memref_squeeze %dma_start3A_534 : memref<1x128x128xf32, #tpu.memory_space<vmem>> -> memref<128x128xf32, #tpu.memory_space<vmem>>
        %dma_start3A_536 = arith.constant 0 : i32
        %dma_start3A_537 = tpu.memref_slice %arg2[%mul3A_531, %dma_start3A_536] : memref<100000x128xf32, #tpu.memory_space<hbm>> -> memref<128x128xf32, #tpu.memory_space<hbm>>
        %dma_start3A_538 = tpu.memref_slice %arg9[%select_n3A_528] : memref<6x!tpu.dma_semaphore, #tpu.memory_space<semaphore_mem>> -> memref<1x!tpu.dma_semaphore, #tpu.memory_space<semaphore_mem>>
        %dma_start3A_539 = tpu.memref_squeeze %dma_start3A_538 : memref<1x!tpu.dma_semaphore, #tpu.memory_space<semaphore_mem>> -> memref<!tpu.dma_semaphore, #tpu.memory_space<semaphore_mem>>
        %dma_start3A_540 = arith.constant 0 : i32
        %dma_start3A_541 = arith.constant 0 : i32
        %dma_start3A_542 = tpu.memref_slice %arg6[%select_n3A_528, %dma_start3A_540, %dma_start3A_541] : memref<6x128x128xf32, #tpu.memory_space<vmem>> -> memref<1x128x128xf32, #tpu.memory_space<vmem>>
        %dma_start3A_543 = tpu.memref_squeeze %dma_start3A_542 : memref<1x128x128xf32, #tpu.memory_space<vmem>> -> memref<128x128xf32, #tpu.memory_space<vmem>>
        %dma_start3A_544 = arith.constant 0 : i32
        %dma_start3A_545 = tpu.memref_slice %arg2[%mul3A_531, %dma_start3A_544] : memref<100000x128xf32, #tpu.memory_space<hbm>> -> memref<128x128xf32, #tpu.memory_space<hbm>>
        tpu.enqueue_dma source(%dma_start3A_545 : memref<128x128xf32, #tpu.memory_space<hbm>>) target(%dma_start3A_543 : memref<128x128xf32, #tpu.memory_space<vmem>>) target_semaphore(%dma_start3A_539 : memref<!tpu.dma_semaphore, #tpu.memory_space<semaphore_mem>>)
        %add3A_546 = arith.addi %add3A_4, %add3A_201 : i32
        %mul3A_547 = arith.constant 128 : i32
        %mul3A_548 = arith.muli %add3A_546, %mul3A_547 : i32
        %dma_start3A_549 = arith.constant 0 : i32
        %dma_start3A_550 = tpu.memref_slice %arg5[%select_n3A_528, %dma_start3A_549] : memref<6x128xi32, #tpu.memory_space<vmem>> -> memref<1x128xi32, #tpu.memory_space<vmem>>
        %dma_start3A_551 = tpu.memref_squeeze %dma_start3A_550 : memref<1x128xi32, #tpu.memory_space<vmem>> -> memref<128xi32, #tpu.memory_space<vmem>>
        %dma_start3A_552 = tpu.memref_slice %arg3[%mul3A_548] : memref<100000xi32, #tpu.memory_space<hbm>> -> memref<128xi32, #tpu.memory_space<hbm>>
        %dma_start3A_553 = tpu.memref_slice %arg10[%select_n3A_528] : memref<6x!tpu.dma_semaphore, #tpu.memory_space<semaphore_mem>> -> memref<1x!tpu.dma_semaphore, #tpu.memory_space<semaphore_mem>>
        %dma_start3A_554 = tpu.memref_squeeze %dma_start3A_553 : memref<1x!tpu.dma_semaphore, #tpu.memory_space<semaphore_mem>> -> memref<!tpu.dma_semaphore, #tpu.memory_space<semaphore_mem>>
        %dma_start3A_555 = arith.constant 0 : i32
        %dma_start3A_556 = tpu.memref_slice %arg5[%select_n3A_528, %dma_start3A_555] : memref<6x128xi32, #tpu.memory_space<vmem>> -> memref<1x128xi32, #tpu.memory_space<vmem>>
        %dma_start3A_557 = tpu.memref_squeeze %dma_start3A_556 : memref<1x128xi32, #tpu.memory_space<vmem>> -> memref<128xi32, #tpu.memory_space<vmem>>
        %dma_start3A_558 = tpu.memref_slice %arg3[%mul3A_548] : memref<100000xi32, #tpu.memory_space<hbm>> -> memref<128xi32, #tpu.memory_space<hbm>>
        tpu.enqueue_dma source(%dma_start3A_558 : memref<128xi32, #tpu.memory_space<hbm>>) target(%dma_start3A_557 : memref<128xi32, #tpu.memory_space<vmem>>) target_semaphore(%dma_start3A_554 : memref<!tpu.dma_semaphore, #tpu.memory_space<semaphore_mem>>)
      } else {
      }
      %eq3A = arith.constant 0 : i32
      %eq3A_207 = arith.cmpi eq, %add3A_149, %eq3A : i32
      %convert_element_type3A_208 = arith.extui %eq3A_207 : i1 to i32
      %cond3A_209 = arith.constant 0 : i32
      %cond3A_210 = arith.cmpi ne, %convert_element_type3A_208, %cond3A_209 : i32
      scf.if %cond3A_210 {
        %jit3A_498 = arith.constant 6 : i32
        %eq3A_499 = arith.constant 0 : i32
        %eq3A_500 = arith.cmpi eq, %jit3A_498, %eq3A_499 : i32
        %jit3A_501 = arith.constant 1 : i32
        %select_n3A_502 = arith.select %eq3A_500, %jit3A_501, %jit3A_498 : i32
        %rem3A = arith.remsi %add3A_201, %select_n3A_502 : i32
        %ne3A = arith.constant 0 : i32
        %ne3A_503 = arith.cmpi ne, %rem3A, %ne3A : i32
        %lt3A_504 = arith.constant 0 : i32
        %lt3A_505 = arith.cmpi slt, %rem3A, %lt3A_504 : i32
        %lt3A_506 = arith.constant 0 : i32
        %lt3A_507 = arith.cmpi slt, %select_n3A_502, %lt3A_506 : i32
        %ne3A_508 = arith.xori %lt3A_505, %lt3A_507 : i1
        %and3A = arith.andi %ne3A_508, %ne3A_503 : i1
        %add3A_509 = arith.addi %rem3A, %select_n3A_502 : i32
        %select_n3A_510 = arith.select %and3A, %add3A_509, %rem3A : i32
        %add3A_511 = arith.addi %add3A_4, %add3A_201 : i32
        %mul3A_512 = arith.constant 128 : i32
        %mul3A_513 = arith.muli %add3A_511, %mul3A_512 : i32
        %dma_start3A_514 = arith.constant 0 : i32
        %dma_start3A_515 = arith.constant 0 : i32
        %dma_start3A_516 = tpu.memref_slice %arg6[%select_n3A_510, %dma_start3A_514, %dma_start3A_515] : memref<6x128x128xf32, #tpu.memory_space<vmem>> -> memref<1x128x128xf32, #tpu.memory_space<vmem>>
        %dma_start3A_517 = tpu.memref_squeeze %dma_start3A_516 : memref<1x128x128xf32, #tpu.memory_space<vmem>> -> memref<128x128xf32, #tpu.memory_space<vmem>>
        %dma_start3A_518 = arith.constant 0 : i32
        %dma_start3A_519 = tpu.memref_slice %arg2[%mul3A_513, %dma_start3A_518] : memref<100000x128xf32, #tpu.memory_space<hbm>> -> memref<128x128xf32, #tpu.memory_space<hbm>>
        %dma_start3A_520 = tpu.memref_slice %arg9[%select_n3A_510] : memref<6x!tpu.dma_semaphore, #tpu.memory_space<semaphore_mem>> -> memref<1x!tpu.dma_semaphore, #tpu.memory_space<semaphore_mem>>
        %dma_start3A_521 = tpu.memref_squeeze %dma_start3A_520 : memref<1x!tpu.dma_semaphore, #tpu.memory_space<semaphore_mem>> -> memref<!tpu.dma_semaphore, #tpu.memory_space<semaphore_mem>>
        %dma_start3A_522 = arith.constant 0 : i32
        %dma_start3A_523 = arith.constant 0 : i32
        %dma_start3A_524 = tpu.memref_slice %arg6[%select_n3A_510, %dma_start3A_522, %dma_start3A_523] : memref<6x128x128xf32, #tpu.memory_space<vmem>> -> memref<1x128x128xf32, #tpu.memory_space<vmem>>
        %dma_start3A_525 = tpu.memref_squeeze %dma_start3A_524 : memref<1x128x128xf32, #tpu.memory_space<vmem>> -> memref<128x128xf32, #tpu.memory_space<vmem>>
        %dma_start3A_526 = arith.constant 0 : i32
        %dma_start3A_527 = tpu.memref_slice %arg2[%mul3A_513, %dma_start3A_526] : memref<100000x128xf32, #tpu.memory_space<hbm>> -> memref<128x128xf32, #tpu.memory_space<hbm>>
        tpu.enqueue_dma source(%dma_start3A_527 : memref<128x128xf32, #tpu.memory_space<hbm>>) target(%dma_start3A_525 : memref<128x128xf32, #tpu.memory_space<vmem>>) target_semaphore(%dma_start3A_521 : memref<!tpu.dma_semaphore, #tpu.memory_space<semaphore_mem>>)
        %add3A_528 = arith.addi %add3A_4, %add3A_201 : i32
        %mul3A_529 = arith.constant 128 : i32
        %mul3A_530 = arith.muli %add3A_528, %mul3A_529 : i32
        %dma_start3A_531 = arith.constant 0 : i32
        %dma_start3A_532 = tpu.memref_slice %arg5[%select_n3A_510, %dma_start3A_531] : memref<6x128xi32, #tpu.memory_space<vmem>> -> memref<1x128xi32, #tpu.memory_space<vmem>>
        %dma_start3A_533 = tpu.memref_squeeze %dma_start3A_532 : memref<1x128xi32, #tpu.memory_space<vmem>> -> memref<128xi32, #tpu.memory_space<vmem>>
        %dma_start3A_534 = tpu.memref_slice %arg3[%mul3A_530] : memref<100000xi32, #tpu.memory_space<hbm>> -> memref<128xi32, #tpu.memory_space<hbm>>
        %dma_start3A_535 = tpu.memref_slice %arg10[%select_n3A_510] : memref<6x!tpu.dma_semaphore, #tpu.memory_space<semaphore_mem>> -> memref<1x!tpu.dma_semaphore, #tpu.memory_space<semaphore_mem>>
        %dma_start3A_536 = tpu.memref_squeeze %dma_start3A_535 : memref<1x!tpu.dma_semaphore, #tpu.memory_space<semaphore_mem>> -> memref<!tpu.dma_semaphore, #tpu.memory_space<semaphore_mem>>
        %dma_start3A_537 = arith.constant 0 : i32
        %dma_start3A_538 = tpu.memref_slice %arg5[%select_n3A_510, %dma_start3A_537] : memref<6x128xi32, #tpu.memory_space<vmem>> -> memref<1x128xi32, #tpu.memory_space<vmem>>
        %dma_start3A_539 = tpu.memref_squeeze %dma_start3A_538 : memref<1x128xi32, #tpu.memory_space<vmem>> -> memref<128xi32, #tpu.memory_space<vmem>>
        %dma_start3A_540 = tpu.memref_slice %arg3[%mul3A_530] : memref<100000xi32, #tpu.memory_space<hbm>> -> memref<128xi32, #tpu.memory_space<hbm>>
        tpu.enqueue_dma source(%dma_start3A_540 : memref<128xi32, #tpu.memory_space<hbm>>) target(%dma_start3A_539 : memref<128xi32, #tpu.memory_space<vmem>>) target_semaphore(%dma_start3A_536 : memref<!tpu.dma_semaphore, #tpu.memory_space<semaphore_mem>>)
      } else {
      }
      %add3A_211 = arith.constant 1 : i32
      %add3A_212 = arith.addi %mul3A_151, %add3A_211 : i32
      %dma_wait3A_213 = arith.constant 0 : i32
      %dma_wait3A_214 = arith.constant 1 : i32
      %dma_wait3A_215 = arith.constant 0 : i32
      %dma_wait3A_216 = arith.constant 0 : i32
      %dma_wait3A_217 = tpu.memref_slice %arg6[%dma_wait3A_213, %dma_wait3A_215, %dma_wait3A_216] : memref<6x128x128xf32, #tpu.memory_space<vmem>> -> memref<1x128x128xf32, #tpu.memory_space<vmem>>
      %dma_wait3A_218 = tpu.memref_squeeze %dma_wait3A_217 : memref<1x128x128xf32, #tpu.memory_space<vmem>> -> memref<128x128xf32, #tpu.memory_space<vmem>>
      %dma_wait3A_219 = arith.constant 0 : i32
      %dma_wait3A_220 = arith.constant 0 : i32
      %dma_wait3A_221 = tpu.memref_slice %arg2[%dma_wait3A_219, %dma_wait3A_220] : memref<100000x128xf32, #tpu.memory_space<hbm>> -> memref<128x128xf32, #tpu.memory_space<hbm>>
      %dma_wait3A_222 = tpu.memref_slice %arg9[%dma_wait3A_214] : memref<6x!tpu.dma_semaphore, #tpu.memory_space<semaphore_mem>> -> memref<1x!tpu.dma_semaphore, #tpu.memory_space<semaphore_mem>>
      %dma_wait3A_223 = tpu.memref_squeeze %dma_wait3A_222 : memref<1x!tpu.dma_semaphore, #tpu.memory_space<semaphore_mem>> -> memref<!tpu.dma_semaphore, #tpu.memory_space<semaphore_mem>>
      %dma_wait3A_224 = arith.constant 0 : i32
      %dma_wait3A_225 = arith.constant 0 : i32
      %dma_wait3A_226 = tpu.memref_slice %arg6[%dma_wait3A_213, %dma_wait3A_224, %dma_wait3A_225] : memref<6x128x128xf32, #tpu.memory_space<vmem>> -> memref<1x128x128xf32, #tpu.memory_space<vmem>>
      %dma_wait3A_227 = tpu.memref_squeeze %dma_wait3A_226 : memref<1x128x128xf32, #tpu.memory_space<vmem>> -> memref<128x128xf32, #tpu.memory_space<vmem>>
      %dma_wait3A_228 = arith.constant 0 : i32
      %dma_wait3A_229 = arith.constant 0 : i32
      %dma_wait3A_230 = tpu.memref_slice %arg2[%dma_wait3A_228, %dma_wait3A_229] : memref<100000x128xf32, #tpu.memory_space<hbm>> -> memref<128x128xf32, #tpu.memory_space<hbm>>
      tpu.wait_dma2 semaphore(%dma_wait3A_223 : memref<!tpu.dma_semaphore, #tpu.memory_space<semaphore_mem>>) src(%dma_wait3A_230 : memref<128x128xf32, #tpu.memory_space<hbm>>) dst(%dma_wait3A_227 : memref<128x128xf32, #tpu.memory_space<vmem>>)
      %dma_wait3A_231 = arith.constant 0 : i32
      %dma_wait3A_232 = arith.constant 1 : i32
      %dma_wait3A_233 = arith.constant 0 : i32
      %dma_wait3A_234 = tpu.memref_slice %arg5[%dma_wait3A_231, %dma_wait3A_233] : memref<6x128xi32, #tpu.memory_space<vmem>> -> memref<1x128xi32, #tpu.memory_space<vmem>>
      %dma_wait3A_235 = tpu.memref_squeeze %dma_wait3A_234 : memref<1x128xi32, #tpu.memory_space<vmem>> -> memref<128xi32, #tpu.memory_space<vmem>>
      %dma_wait3A_236 = arith.constant 0 : i32
      %dma_wait3A_237 = tpu.memref_slice %arg3[%dma_wait3A_236] : memref<100000xi32, #tpu.memory_space<hbm>> -> memref<128xi32, #tpu.memory_space<hbm>>
      %dma_wait3A_238 = tpu.memref_slice %arg10[%dma_wait3A_232] : memref<6x!tpu.dma_semaphore, #tpu.memory_space<semaphore_mem>> -> memref<1x!tpu.dma_semaphore, #tpu.memory_space<semaphore_mem>>
      %dma_wait3A_239 = tpu.memref_squeeze %dma_wait3A_238 : memref<1x!tpu.dma_semaphore, #tpu.memory_space<semaphore_mem>> -> memref<!tpu.dma_semaphore, #tpu.memory_space<semaphore_mem>>
      %dma_wait3A_240 = arith.constant 0 : i32
      %dma_wait3A_241 = tpu.memref_slice %arg5[%dma_wait3A_231, %dma_wait3A_240] : memref<6x128xi32, #tpu.memory_space<vmem>> -> memref<1x128xi32, #tpu.memory_space<vmem>>
      %dma_wait3A_242 = tpu.memref_squeeze %dma_wait3A_241 : memref<1x128xi32, #tpu.memory_space<vmem>> -> memref<128xi32, #tpu.memory_space<vmem>>
      %dma_wait3A_243 = arith.constant 0 : i32
      %dma_wait3A_244 = tpu.memref_slice %arg3[%dma_wait3A_243] : memref<100000xi32, #tpu.memory_space<hbm>> -> memref<128xi32, #tpu.memory_space<hbm>>
      tpu.wait_dma2 semaphore(%dma_wait3A_239 : memref<!tpu.dma_semaphore, #tpu.memory_space<semaphore_mem>>) src(%dma_wait3A_244 : memref<128xi32, #tpu.memory_space<hbm>>) dst(%dma_wait3A_242 : memref<128xi32, #tpu.memory_space<vmem>>)
      %dma_start3A_245 = arith.constant 1 : i32
      %dma_start3A_246 = arith.constant 1 : i32
      %dma_start3A_247 = arith.constant 1 : i32
      %dma_start3A_248 = arith.constant 0 : i32
      %dma_start3A_249 = arith.constant 0 : i32
      %dma_start3A_250 = tpu.memref_slice %arg6[%dma_start3A_245, %dma_start3A_248, %dma_start3A_249] : memref<6x128x128xf32, #tpu.memory_space<vmem>> -> memref<1x128x128xf32, #tpu.memory_space<vmem>>
      %dma_start3A_251 = tpu.memref_squeeze %dma_start3A_250 : memref<1x128x128xf32, #tpu.memory_space<vmem>> -> memref<128x128xf32, #tpu.memory_space<vmem>>
      %dma_start3A_252 = arith.constant 0 : i32
      %dma_start3A_253 = tpu.memref_slice %arg5[%dma_start3A_246, %dma_start3A_252] : memref<6x128xi32, #tpu.memory_space<vmem>> -> memref<1x128xi32, #tpu.memory_space<vmem>>
      %dma_start3A_254 = tpu.memref_squeeze %dma_start3A_253 : memref<1x128xi32, #tpu.memory_space<vmem>> -> memref<128xi32, #tpu.memory_space<vmem>>
      %dma_start3A_255 = arith.constant 0 : i32
      %dma_start3A_256 = arith.constant 0 : i32
      %dma_start3A_257 = tpu.memref_slice %arg8[%dma_start3A_255, %dma_start3A_256] : memref<512x128xf32, #tpu.memory_space<vmem_shared>> -> memref<512x128xf32, #tpu.memory_space<vmem_shared>>
      %dma_start3A_258 = tpu.memref_slice %arg11[%dma_start3A_247] : memref<6x!tpu.dma_semaphore, #tpu.memory_space<semaphore_mem>> -> memref<1x!tpu.dma_semaphore, #tpu.memory_space<semaphore_mem>>
      %dma_start3A_259 = tpu.memref_squeeze %dma_start3A_258 : memref<1x!tpu.dma_semaphore, #tpu.memory_space<semaphore_mem>> -> memref<!tpu.dma_semaphore, #tpu.memory_space<semaphore_mem>>
      tpu.enqueue_indirect_dma source(%dma_start3A_251 : memref<128x128xf32, #tpu.memory_space<vmem>>) target(%dma_start3A_257 : memref<512x128xf32, #tpu.memory_space<vmem_shared>>) offsets(%dma_start3A_254 : memref<128xi32, #tpu.memory_space<vmem>>) semaphore(%dma_start3A_259 : memref<!tpu.dma_semaphore, #tpu.memory_space<semaphore_mem>>) {add = true}
      %add3A_260 = arith.constant 3 : i32
      %add3A_261 = arith.addi %add3A_212, %add3A_260 : i32
      %gt3A_262 = arith.constant 0 : i32
      %gt3A_263 = arith.cmpi sgt, %add3A_149, %gt3A_262 : i32
      %convert_element_type3A_264 = arith.extui %gt3A_263 : i1 to i32
      %cond3A_265 = arith.constant 0 : i32
      %cond3A_266 = arith.cmpi ne, %convert_element_type3A_264, %cond3A_265 : i32
      scf.if %cond3A_266 {
        %dma_wait3A_498 = arith.constant 0 : i32
        %dma_wait3A_499 = arith.constant 4 : i32
        %dma_wait3A_500 = arith.constant 0 : i32
        %dma_wait3A_501 = arith.constant 0 : i32
        %dma_wait3A_502 = tpu.memref_slice %arg6[%dma_wait3A_498, %dma_wait3A_500, %dma_wait3A_501] : memref<6x128x128xf32, #tpu.memory_space<vmem>> -> memref<1x128x128xf32, #tpu.memory_space<vmem>>
        %dma_wait3A_503 = tpu.memref_squeeze %dma_wait3A_502 : memref<1x128x128xf32, #tpu.memory_space<vmem>> -> memref<128x128xf32, #tpu.memory_space<vmem>>
        %dma_wait3A_504 = arith.constant 0 : i32
        %dma_wait3A_505 = arith.constant 0 : i32
        %dma_wait3A_506 = tpu.memref_slice %arg2[%dma_wait3A_504, %dma_wait3A_505] : memref<100000x128xf32, #tpu.memory_space<hbm>> -> memref<128x128xf32, #tpu.memory_space<hbm>>
        %dma_wait3A_507 = tpu.memref_slice %arg11[%dma_wait3A_499] : memref<6x!tpu.dma_semaphore, #tpu.memory_space<semaphore_mem>> -> memref<1x!tpu.dma_semaphore, #tpu.memory_space<semaphore_mem>>
        %dma_wait3A_508 = tpu.memref_squeeze %dma_wait3A_507 : memref<1x!tpu.dma_semaphore, #tpu.memory_space<semaphore_mem>> -> memref<!tpu.dma_semaphore, #tpu.memory_space<semaphore_mem>>
        %dma_wait3A_509 = arith.constant 0 : i32
        %dma_wait3A_510 = arith.constant 0 : i32
        %dma_wait3A_511 = tpu.memref_slice %arg6[%dma_wait3A_498, %dma_wait3A_509, %dma_wait3A_510] : memref<6x128x128xf32, #tpu.memory_space<vmem>> -> memref<1x128x128xf32, #tpu.memory_space<vmem>>
        %dma_wait3A_512 = tpu.memref_squeeze %dma_wait3A_511 : memref<1x128x128xf32, #tpu.memory_space<vmem>> -> memref<128x128xf32, #tpu.memory_space<vmem>>
        %dma_wait3A_513 = arith.constant 0 : i32
        %dma_wait3A_514 = arith.constant 0 : i32
        %dma_wait3A_515 = tpu.memref_slice %arg2[%dma_wait3A_513, %dma_wait3A_514] : memref<100000x128xf32, #tpu.memory_space<hbm>> -> memref<128x128xf32, #tpu.memory_space<hbm>>
        tpu.wait_dma2 semaphore(%dma_wait3A_508 : memref<!tpu.dma_semaphore, #tpu.memory_space<semaphore_mem>>) src(%dma_wait3A_515 : memref<128x128xf32, #tpu.memory_space<hbm>>) dst(%dma_wait3A_512 : memref<128x128xf32, #tpu.memory_space<vmem>>)
        %jit3A_516 = arith.constant 6 : i32
        %eq3A_517 = arith.constant 0 : i32
        %eq3A_518 = arith.cmpi eq, %jit3A_516, %eq3A_517 : i32
        %jit3A_519 = arith.constant 1 : i32
        %select_n3A_520 = arith.select %eq3A_518, %jit3A_519, %jit3A_516 : i32
        %rem3A = arith.remsi %add3A_261, %select_n3A_520 : i32
        %ne3A = arith.constant 0 : i32
        %ne3A_521 = arith.cmpi ne, %rem3A, %ne3A : i32
        %lt3A_522 = arith.constant 0 : i32
        %lt3A_523 = arith.cmpi slt, %rem3A, %lt3A_522 : i32
        %lt3A_524 = arith.constant 0 : i32
        %lt3A_525 = arith.cmpi slt, %select_n3A_520, %lt3A_524 : i32
        %ne3A_526 = arith.xori %lt3A_523, %lt3A_525 : i1
        %and3A = arith.andi %ne3A_526, %ne3A_521 : i1
        %add3A_527 = arith.addi %rem3A, %select_n3A_520 : i32
        %select_n3A_528 = arith.select %and3A, %add3A_527, %rem3A : i32
        %add3A_529 = arith.addi %add3A_4, %add3A_261 : i32
        %mul3A_530 = arith.constant 128 : i32
        %mul3A_531 = arith.muli %add3A_529, %mul3A_530 : i32
        %dma_start3A_532 = arith.constant 0 : i32
        %dma_start3A_533 = arith.constant 0 : i32
        %dma_start3A_534 = tpu.memref_slice %arg6[%select_n3A_528, %dma_start3A_532, %dma_start3A_533] : memref<6x128x128xf32, #tpu.memory_space<vmem>> -> memref<1x128x128xf32, #tpu.memory_space<vmem>>
        %dma_start3A_535 = tpu.memref_squeeze %dma_start3A_534 : memref<1x128x128xf32, #tpu.memory_space<vmem>> -> memref<128x128xf32, #tpu.memory_space<vmem>>
        %dma_start3A_536 = arith.constant 0 : i32
        %dma_start3A_537 = tpu.memref_slice %arg2[%mul3A_531, %dma_start3A_536] : memref<100000x128xf32, #tpu.memory_space<hbm>> -> memref<128x128xf32, #tpu.memory_space<hbm>>
        %dma_start3A_538 = tpu.memref_slice %arg9[%select_n3A_528] : memref<6x!tpu.dma_semaphore, #tpu.memory_space<semaphore_mem>> -> memref<1x!tpu.dma_semaphore, #tpu.memory_space<semaphore_mem>>
        %dma_start3A_539 = tpu.memref_squeeze %dma_start3A_538 : memref<1x!tpu.dma_semaphore, #tpu.memory_space<semaphore_mem>> -> memref<!tpu.dma_semaphore, #tpu.memory_space<semaphore_mem>>
        %dma_start3A_540 = arith.constant 0 : i32
        %dma_start3A_541 = arith.constant 0 : i32
        %dma_start3A_542 = tpu.memref_slice %arg6[%select_n3A_528, %dma_start3A_540, %dma_start3A_541] : memref<6x128x128xf32, #tpu.memory_space<vmem>> -> memref<1x128x128xf32, #tpu.memory_space<vmem>>
        %dma_start3A_543 = tpu.memref_squeeze %dma_start3A_542 : memref<1x128x128xf32, #tpu.memory_space<vmem>> -> memref<128x128xf32, #tpu.memory_space<vmem>>
        %dma_start3A_544 = arith.constant 0 : i32
        %dma_start3A_545 = tpu.memref_slice %arg2[%mul3A_531, %dma_start3A_544] : memref<100000x128xf32, #tpu.memory_space<hbm>> -> memref<128x128xf32, #tpu.memory_space<hbm>>
        tpu.enqueue_dma source(%dma_start3A_545 : memref<128x128xf32, #tpu.memory_space<hbm>>) target(%dma_start3A_543 : memref<128x128xf32, #tpu.memory_space<vmem>>) target_semaphore(%dma_start3A_539 : memref<!tpu.dma_semaphore, #tpu.memory_space<semaphore_mem>>)
        %add3A_546 = arith.addi %add3A_4, %add3A_261 : i32
        %mul3A_547 = arith.constant 128 : i32
        %mul3A_548 = arith.muli %add3A_546, %mul3A_547 : i32
        %dma_start3A_549 = arith.constant 0 : i32
        %dma_start3A_550 = tpu.memref_slice %arg5[%select_n3A_528, %dma_start3A_549] : memref<6x128xi32, #tpu.memory_space<vmem>> -> memref<1x128xi32, #tpu.memory_space<vmem>>
        %dma_start3A_551 = tpu.memref_squeeze %dma_start3A_550 : memref<1x128xi32, #tpu.memory_space<vmem>> -> memref<128xi32, #tpu.memory_space<vmem>>
        %dma_start3A_552 = tpu.memref_slice %arg3[%mul3A_548] : memref<100000xi32, #tpu.memory_space<hbm>> -> memref<128xi32, #tpu.memory_space<hbm>>
        %dma_start3A_553 = tpu.memref_slice %arg10[%select_n3A_528] : memref<6x!tpu.dma_semaphore, #tpu.memory_space<semaphore_mem>> -> memref<1x!tpu.dma_semaphore, #tpu.memory_space<semaphore_mem>>
        %dma_start3A_554 = tpu.memref_squeeze %dma_start3A_553 : memref<1x!tpu.dma_semaphore, #tpu.memory_space<semaphore_mem>> -> memref<!tpu.dma_semaphore, #tpu.memory_space<semaphore_mem>>
        %dma_start3A_555 = arith.constant 0 : i32
        %dma_start3A_556 = tpu.memref_slice %arg5[%select_n3A_528, %dma_start3A_555] : memref<6x128xi32, #tpu.memory_space<vmem>> -> memref<1x128xi32, #tpu.memory_space<vmem>>
        %dma_start3A_557 = tpu.memref_squeeze %dma_start3A_556 : memref<1x128xi32, #tpu.memory_space<vmem>> -> memref<128xi32, #tpu.memory_space<vmem>>
        %dma_start3A_558 = tpu.memref_slice %arg3[%mul3A_548] : memref<100000xi32, #tpu.memory_space<hbm>> -> memref<128xi32, #tpu.memory_space<hbm>>
        tpu.enqueue_dma source(%dma_start3A_558 : memref<128xi32, #tpu.memory_space<hbm>>) target(%dma_start3A_557 : memref<128xi32, #tpu.memory_space<vmem>>) target_semaphore(%dma_start3A_554 : memref<!tpu.dma_semaphore, #tpu.memory_space<semaphore_mem>>)
      } else {
      }
      %eq3A_267 = arith.constant 0 : i32
      %eq3A_268 = arith.cmpi eq, %add3A_149, %eq3A_267 : i32
      %convert_element_type3A_269 = arith.extui %eq3A_268 : i1 to i32
      %cond3A_270 = arith.constant 0 : i32
      %cond3A_271 = arith.cmpi ne, %convert_element_type3A_269, %cond3A_270 : i32
      scf.if %cond3A_271 {
        %jit3A_498 = arith.constant 6 : i32
        %eq3A_499 = arith.constant 0 : i32
        %eq3A_500 = arith.cmpi eq, %jit3A_498, %eq3A_499 : i32
        %jit3A_501 = arith.constant 1 : i32
        %select_n3A_502 = arith.select %eq3A_500, %jit3A_501, %jit3A_498 : i32
        %rem3A = arith.remsi %add3A_261, %select_n3A_502 : i32
        %ne3A = arith.constant 0 : i32
        %ne3A_503 = arith.cmpi ne, %rem3A, %ne3A : i32
        %lt3A_504 = arith.constant 0 : i32
        %lt3A_505 = arith.cmpi slt, %rem3A, %lt3A_504 : i32
        %lt3A_506 = arith.constant 0 : i32
        %lt3A_507 = arith.cmpi slt, %select_n3A_502, %lt3A_506 : i32
        %ne3A_508 = arith.xori %lt3A_505, %lt3A_507 : i1
        %and3A = arith.andi %ne3A_508, %ne3A_503 : i1
        %add3A_509 = arith.addi %rem3A, %select_n3A_502 : i32
        %select_n3A_510 = arith.select %and3A, %add3A_509, %rem3A : i32
        %add3A_511 = arith.addi %add3A_4, %add3A_261 : i32
        %mul3A_512 = arith.constant 128 : i32
        %mul3A_513 = arith.muli %add3A_511, %mul3A_512 : i32
        %dma_start3A_514 = arith.constant 0 : i32
        %dma_start3A_515 = arith.constant 0 : i32
        %dma_start3A_516 = tpu.memref_slice %arg6[%select_n3A_510, %dma_start3A_514, %dma_start3A_515] : memref<6x128x128xf32, #tpu.memory_space<vmem>> -> memref<1x128x128xf32, #tpu.memory_space<vmem>>
        %dma_start3A_517 = tpu.memref_squeeze %dma_start3A_516 : memref<1x128x128xf32, #tpu.memory_space<vmem>> -> memref<128x128xf32, #tpu.memory_space<vmem>>
        %dma_start3A_518 = arith.constant 0 : i32
        %dma_start3A_519 = tpu.memref_slice %arg2[%mul3A_513, %dma_start3A_518] : memref<100000x128xf32, #tpu.memory_space<hbm>> -> memref<128x128xf32, #tpu.memory_space<hbm>>
        %dma_start3A_520 = tpu.memref_slice %arg9[%select_n3A_510] : memref<6x!tpu.dma_semaphore, #tpu.memory_space<semaphore_mem>> -> memref<1x!tpu.dma_semaphore, #tpu.memory_space<semaphore_mem>>
        %dma_start3A_521 = tpu.memref_squeeze %dma_start3A_520 : memref<1x!tpu.dma_semaphore, #tpu.memory_space<semaphore_mem>> -> memref<!tpu.dma_semaphore, #tpu.memory_space<semaphore_mem>>
        %dma_start3A_522 = arith.constant 0 : i32
        %dma_start3A_523 = arith.constant 0 : i32
        %dma_start3A_524 = tpu.memref_slice %arg6[%select_n3A_510, %dma_start3A_522, %dma_start3A_523] : memref<6x128x128xf32, #tpu.memory_space<vmem>> -> memref<1x128x128xf32, #tpu.memory_space<vmem>>
        %dma_start3A_525 = tpu.memref_squeeze %dma_start3A_524 : memref<1x128x128xf32, #tpu.memory_space<vmem>> -> memref<128x128xf32, #tpu.memory_space<vmem>>
        %dma_start3A_526 = arith.constant 0 : i32
        %dma_start3A_527 = tpu.memref_slice %arg2[%mul3A_513, %dma_start3A_526] : memref<100000x128xf32, #tpu.memory_space<hbm>> -> memref<128x128xf32, #tpu.memory_space<hbm>>
        tpu.enqueue_dma source(%dma_start3A_527 : memref<128x128xf32, #tpu.memory_space<hbm>>) target(%dma_start3A_525 : memref<128x128xf32, #tpu.memory_space<vmem>>) target_semaphore(%dma_start3A_521 : memref<!tpu.dma_semaphore, #tpu.memory_space<semaphore_mem>>)
        %add3A_528 = arith.addi %add3A_4, %add3A_261 : i32
        %mul3A_529 = arith.constant 128 : i32
        %mul3A_530 = arith.muli %add3A_528, %mul3A_529 : i32
        %dma_start3A_531 = arith.constant 0 : i32
        %dma_start3A_532 = tpu.memref_slice %arg5[%select_n3A_510, %dma_start3A_531] : memref<6x128xi32, #tpu.memory_space<vmem>> -> memref<1x128xi32, #tpu.memory_space<vmem>>
        %dma_start3A_533 = tpu.memref_squeeze %dma_start3A_532 : memref<1x128xi32, #tpu.memory_space<vmem>> -> memref<128xi32, #tpu.memory_space<vmem>>
        %dma_start3A_534 = tpu.memref_slice %arg3[%mul3A_530] : memref<100000xi32, #tpu.memory_space<hbm>> -> memref<128xi32, #tpu.memory_space<hbm>>
        %dma_start3A_535 = tpu.memref_slice %arg10[%select_n3A_510] : memref<6x!tpu.dma_semaphore, #tpu.memory_space<semaphore_mem>> -> memref<1x!tpu.dma_semaphore, #tpu.memory_space<semaphore_mem>>
        %dma_start3A_536 = tpu.memref_squeeze %dma_start3A_535 : memref<1x!tpu.dma_semaphore, #tpu.memory_space<semaphore_mem>> -> memref<!tpu.dma_semaphore, #tpu.memory_space<semaphore_mem>>
        %dma_start3A_537 = arith.constant 0 : i32
        %dma_start3A_538 = tpu.memref_slice %arg5[%select_n3A_510, %dma_start3A_537] : memref<6x128xi32, #tpu.memory_space<vmem>> -> memref<1x128xi32, #tpu.memory_space<vmem>>
        %dma_start3A_539 = tpu.memref_squeeze %dma_start3A_538 : memref<1x128xi32, #tpu.memory_space<vmem>> -> memref<128xi32, #tpu.memory_space<vmem>>
        %dma_start3A_540 = tpu.memref_slice %arg3[%mul3A_530] : memref<100000xi32, #tpu.memory_space<hbm>> -> memref<128xi32, #tpu.memory_space<hbm>>
        tpu.enqueue_dma source(%dma_start3A_540 : memref<128xi32, #tpu.memory_space<hbm>>) target(%dma_start3A_539 : memref<128xi32, #tpu.memory_space<vmem>>) target_semaphore(%dma_start3A_536 : memref<!tpu.dma_semaphore, #tpu.memory_space<semaphore_mem>>)
      } else {
      }
      %add3A_272 = arith.constant 2 : i32
      %add3A_273 = arith.addi %mul3A_151, %add3A_272 : i32
      %dma_wait3A_274 = arith.constant 0 : i32
      %dma_wait3A_275 = arith.constant 2 : i32
      %dma_wait3A_276 = arith.constant 0 : i32
      %dma_wait3A_277 = arith.constant 0 : i32
      %dma_wait3A_278 = tpu.memref_slice %arg6[%dma_wait3A_274, %dma_wait3A_276, %dma_wait3A_277] : memref<6x128x128xf32, #tpu.memory_space<vmem>> -> memref<1x128x128xf32, #tpu.memory_space<vmem>>
      %dma_wait3A_279 = tpu.memref_squeeze %dma_wait3A_278 : memref<1x128x128xf32, #tpu.memory_space<vmem>> -> memref<128x128xf32, #tpu.memory_space<vmem>>
      %dma_wait3A_280 = arith.constant 0 : i32
      %dma_wait3A_281 = arith.constant 0 : i32
      %dma_wait3A_282 = tpu.memref_slice %arg2[%dma_wait3A_280, %dma_wait3A_281] : memref<100000x128xf32, #tpu.memory_space<hbm>> -> memref<128x128xf32, #tpu.memory_space<hbm>>
      %dma_wait3A_283 = tpu.memref_slice %arg9[%dma_wait3A_275] : memref<6x!tpu.dma_semaphore, #tpu.memory_space<semaphore_mem>> -> memref<1x!tpu.dma_semaphore, #tpu.memory_space<semaphore_mem>>
      %dma_wait3A_284 = tpu.memref_squeeze %dma_wait3A_283 : memref<1x!tpu.dma_semaphore, #tpu.memory_space<semaphore_mem>> -> memref<!tpu.dma_semaphore, #tpu.memory_space<semaphore_mem>>
      %dma_wait3A_285 = arith.constant 0 : i32
      %dma_wait3A_286 = arith.constant 0 : i32
      %dma_wait3A_287 = tpu.memref_slice %arg6[%dma_wait3A_274, %dma_wait3A_285, %dma_wait3A_286] : memref<6x128x128xf32, #tpu.memory_space<vmem>> -> memref<1x128x128xf32, #tpu.memory_space<vmem>>
      %dma_wait3A_288 = tpu.memref_squeeze %dma_wait3A_287 : memref<1x128x128xf32, #tpu.memory_space<vmem>> -> memref<128x128xf32, #tpu.memory_space<vmem>>
      %dma_wait3A_289 = arith.constant 0 : i32
      %dma_wait3A_290 = arith.constant 0 : i32
      %dma_wait3A_291 = tpu.memref_slice %arg2[%dma_wait3A_289, %dma_wait3A_290] : memref<100000x128xf32, #tpu.memory_space<hbm>> -> memref<128x128xf32, #tpu.memory_space<hbm>>
      tpu.wait_dma2 semaphore(%dma_wait3A_284 : memref<!tpu.dma_semaphore, #tpu.memory_space<semaphore_mem>>) src(%dma_wait3A_291 : memref<128x128xf32, #tpu.memory_space<hbm>>) dst(%dma_wait3A_288 : memref<128x128xf32, #tpu.memory_space<vmem>>)
      %dma_wait3A_292 = arith.constant 0 : i32
      %dma_wait3A_293 = arith.constant 2 : i32
      %dma_wait3A_294 = arith.constant 0 : i32
      %dma_wait3A_295 = tpu.memref_slice %arg5[%dma_wait3A_292, %dma_wait3A_294] : memref<6x128xi32, #tpu.memory_space<vmem>> -> memref<1x128xi32, #tpu.memory_space<vmem>>
      %dma_wait3A_296 = tpu.memref_squeeze %dma_wait3A_295 : memref<1x128xi32, #tpu.memory_space<vmem>> -> memref<128xi32, #tpu.memory_space<vmem>>
      %dma_wait3A_297 = arith.constant 0 : i32
      %dma_wait3A_298 = tpu.memref_slice %arg3[%dma_wait3A_297] : memref<100000xi32, #tpu.memory_space<hbm>> -> memref<128xi32, #tpu.memory_space<hbm>>
      %dma_wait3A_299 = tpu.memref_slice %arg10[%dma_wait3A_293] : memref<6x!tpu.dma_semaphore, #tpu.memory_space<semaphore_mem>> -> memref<1x!tpu.dma_semaphore, #tpu.memory_space<semaphore_mem>>
      %dma_wait3A_300 = tpu.memref_squeeze %dma_wait3A_299 : memref<1x!tpu.dma_semaphore, #tpu.memory_space<semaphore_mem>> -> memref<!tpu.dma_semaphore, #tpu.memory_space<semaphore_mem>>
      %dma_wait3A_301 = arith.constant 0 : i32
      %dma_wait3A_302 = tpu.memref_slice %arg5[%dma_wait3A_292, %dma_wait3A_301] : memref<6x128xi32, #tpu.memory_space<vmem>> -> memref<1x128xi32, #tpu.memory_space<vmem>>
      %dma_wait3A_303 = tpu.memref_squeeze %dma_wait3A_302 : memref<1x128xi32, #tpu.memory_space<vmem>> -> memref<128xi32, #tpu.memory_space<vmem>>
      %dma_wait3A_304 = arith.constant 0 : i32
      %dma_wait3A_305 = tpu.memref_slice %arg3[%dma_wait3A_304] : memref<100000xi32, #tpu.memory_space<hbm>> -> memref<128xi32, #tpu.memory_space<hbm>>
      tpu.wait_dma2 semaphore(%dma_wait3A_300 : memref<!tpu.dma_semaphore, #tpu.memory_space<semaphore_mem>>) src(%dma_wait3A_305 : memref<128xi32, #tpu.memory_space<hbm>>) dst(%dma_wait3A_303 : memref<128xi32, #tpu.memory_space<vmem>>)
      %dma_start3A_306 = arith.constant 2 : i32
      %dma_start3A_307 = arith.constant 2 : i32
      %dma_start3A_308 = arith.constant 2 : i32
      %dma_start3A_309 = arith.constant 0 : i32
      %dma_start3A_310 = arith.constant 0 : i32
      %dma_start3A_311 = tpu.memref_slice %arg6[%dma_start3A_306, %dma_start3A_309, %dma_start3A_310] : memref<6x128x128xf32, #tpu.memory_space<vmem>> -> memref<1x128x128xf32, #tpu.memory_space<vmem>>
      %dma_start3A_312 = tpu.memref_squeeze %dma_start3A_311 : memref<1x128x128xf32, #tpu.memory_space<vmem>> -> memref<128x128xf32, #tpu.memory_space<vmem>>
      %dma_start3A_313 = arith.constant 0 : i32
      %dma_start3A_314 = tpu.memref_slice %arg5[%dma_start3A_307, %dma_start3A_313] : memref<6x128xi32, #tpu.memory_space<vmem>> -> memref<1x128xi32, #tpu.memory_space<vmem>>
      %dma_start3A_315 = tpu.memref_squeeze %dma_start3A_314 : memref<1x128xi32, #tpu.memory_space<vmem>> -> memref<128xi32, #tpu.memory_space<vmem>>
      %dma_start3A_316 = arith.constant 0 : i32
      %dma_start3A_317 = arith.constant 0 : i32
      %dma_start3A_318 = tpu.memref_slice %arg8[%dma_start3A_316, %dma_start3A_317] : memref<512x128xf32, #tpu.memory_space<vmem_shared>> -> memref<512x128xf32, #tpu.memory_space<vmem_shared>>
      %dma_start3A_319 = tpu.memref_slice %arg11[%dma_start3A_308] : memref<6x!tpu.dma_semaphore, #tpu.memory_space<semaphore_mem>> -> memref<1x!tpu.dma_semaphore, #tpu.memory_space<semaphore_mem>>
      %dma_start3A_320 = tpu.memref_squeeze %dma_start3A_319 : memref<1x!tpu.dma_semaphore, #tpu.memory_space<semaphore_mem>> -> memref<!tpu.dma_semaphore, #tpu.memory_space<semaphore_mem>>
      tpu.enqueue_indirect_dma source(%dma_start3A_312 : memref<128x128xf32, #tpu.memory_space<vmem>>) target(%dma_start3A_318 : memref<512x128xf32, #tpu.memory_space<vmem_shared>>) offsets(%dma_start3A_315 : memref<128xi32, #tpu.memory_space<vmem>>) semaphore(%dma_start3A_320 : memref<!tpu.dma_semaphore, #tpu.memory_space<semaphore_mem>>) {add = true}
      %add3A_321 = arith.constant 3 : i32
      %add3A_322 = arith.addi %add3A_273, %add3A_321 : i32
      %gt3A_323 = arith.constant 0 : i32
      %gt3A_324 = arith.cmpi sgt, %add3A_149, %gt3A_323 : i32
      %convert_element_type3A_325 = arith.extui %gt3A_324 : i1 to i32
      %cond3A_326 = arith.constant 0 : i32
      %cond3A_327 = arith.cmpi ne, %convert_element_type3A_325, %cond3A_326 : i32
      scf.if %cond3A_327 {
        %dma_wait3A_498 = arith.constant 0 : i32
        %dma_wait3A_499 = arith.constant 5 : i32
        %dma_wait3A_500 = arith.constant 0 : i32
        %dma_wait3A_501 = arith.constant 0 : i32
        %dma_wait3A_502 = tpu.memref_slice %arg6[%dma_wait3A_498, %dma_wait3A_500, %dma_wait3A_501] : memref<6x128x128xf32, #tpu.memory_space<vmem>> -> memref<1x128x128xf32, #tpu.memory_space<vmem>>
        %dma_wait3A_503 = tpu.memref_squeeze %dma_wait3A_502 : memref<1x128x128xf32, #tpu.memory_space<vmem>> -> memref<128x128xf32, #tpu.memory_space<vmem>>
        %dma_wait3A_504 = arith.constant 0 : i32
        %dma_wait3A_505 = arith.constant 0 : i32
        %dma_wait3A_506 = tpu.memref_slice %arg2[%dma_wait3A_504, %dma_wait3A_505] : memref<100000x128xf32, #tpu.memory_space<hbm>> -> memref<128x128xf32, #tpu.memory_space<hbm>>
        %dma_wait3A_507 = tpu.memref_slice %arg11[%dma_wait3A_499] : memref<6x!tpu.dma_semaphore, #tpu.memory_space<semaphore_mem>> -> memref<1x!tpu.dma_semaphore, #tpu.memory_space<semaphore_mem>>
        %dma_wait3A_508 = tpu.memref_squeeze %dma_wait3A_507 : memref<1x!tpu.dma_semaphore, #tpu.memory_space<semaphore_mem>> -> memref<!tpu.dma_semaphore, #tpu.memory_space<semaphore_mem>>
        %dma_wait3A_509 = arith.constant 0 : i32
        %dma_wait3A_510 = arith.constant 0 : i32
        %dma_wait3A_511 = tpu.memref_slice %arg6[%dma_wait3A_498, %dma_wait3A_509, %dma_wait3A_510] : memref<6x128x128xf32, #tpu.memory_space<vmem>> -> memref<1x128x128xf32, #tpu.memory_space<vmem>>
        %dma_wait3A_512 = tpu.memref_squeeze %dma_wait3A_511 : memref<1x128x128xf32, #tpu.memory_space<vmem>> -> memref<128x128xf32, #tpu.memory_space<vmem>>
        %dma_wait3A_513 = arith.constant 0 : i32
        %dma_wait3A_514 = arith.constant 0 : i32
        %dma_wait3A_515 = tpu.memref_slice %arg2[%dma_wait3A_513, %dma_wait3A_514] : memref<100000x128xf32, #tpu.memory_space<hbm>> -> memref<128x128xf32, #tpu.memory_space<hbm>>
        tpu.wait_dma2 semaphore(%dma_wait3A_508 : memref<!tpu.dma_semaphore, #tpu.memory_space<semaphore_mem>>) src(%dma_wait3A_515 : memref<128x128xf32, #tpu.memory_space<hbm>>) dst(%dma_wait3A_512 : memref<128x128xf32, #tpu.memory_space<vmem>>)
        %jit3A_516 = arith.constant 6 : i32
        %eq3A_517 = arith.constant 0 : i32
        %eq3A_518 = arith.cmpi eq, %jit3A_516, %eq3A_517 : i32
        %jit3A_519 = arith.constant 1 : i32
        %select_n3A_520 = arith.select %eq3A_518, %jit3A_519, %jit3A_516 : i32
        %rem3A = arith.remsi %add3A_322, %select_n3A_520 : i32
        %ne3A = arith.constant 0 : i32
        %ne3A_521 = arith.cmpi ne, %rem3A, %ne3A : i32
        %lt3A_522 = arith.constant 0 : i32
        %lt3A_523 = arith.cmpi slt, %rem3A, %lt3A_522 : i32
        %lt3A_524 = arith.constant 0 : i32
        %lt3A_525 = arith.cmpi slt, %select_n3A_520, %lt3A_524 : i32
        %ne3A_526 = arith.xori %lt3A_523, %lt3A_525 : i1
        %and3A = arith.andi %ne3A_526, %ne3A_521 : i1
        %add3A_527 = arith.addi %rem3A, %select_n3A_520 : i32
        %select_n3A_528 = arith.select %and3A, %add3A_527, %rem3A : i32
        %add3A_529 = arith.addi %add3A_4, %add3A_322 : i32
        %mul3A_530 = arith.constant 128 : i32
        %mul3A_531 = arith.muli %add3A_529, %mul3A_530 : i32
        %dma_start3A_532 = arith.constant 0 : i32
        %dma_start3A_533 = arith.constant 0 : i32
        %dma_start3A_534 = tpu.memref_slice %arg6[%select_n3A_528, %dma_start3A_532, %dma_start3A_533] : memref<6x128x128xf32, #tpu.memory_space<vmem>> -> memref<1x128x128xf32, #tpu.memory_space<vmem>>
        %dma_start3A_535 = tpu.memref_squeeze %dma_start3A_534 : memref<1x128x128xf32, #tpu.memory_space<vmem>> -> memref<128x128xf32, #tpu.memory_space<vmem>>
        %dma_start3A_536 = arith.constant 0 : i32
        %dma_start3A_537 = tpu.memref_slice %arg2[%mul3A_531, %dma_start3A_536] : memref<100000x128xf32, #tpu.memory_space<hbm>> -> memref<128x128xf32, #tpu.memory_space<hbm>>
        %dma_start3A_538 = tpu.memref_slice %arg9[%select_n3A_528] : memref<6x!tpu.dma_semaphore, #tpu.memory_space<semaphore_mem>> -> memref<1x!tpu.dma_semaphore, #tpu.memory_space<semaphore_mem>>
        %dma_start3A_539 = tpu.memref_squeeze %dma_start3A_538 : memref<1x!tpu.dma_semaphore, #tpu.memory_space<semaphore_mem>> -> memref<!tpu.dma_semaphore, #tpu.memory_space<semaphore_mem>>
        %dma_start3A_540 = arith.constant 0 : i32
        %dma_start3A_541 = arith.constant 0 : i32
        %dma_start3A_542 = tpu.memref_slice %arg6[%select_n3A_528, %dma_start3A_540, %dma_start3A_541] : memref<6x128x128xf32, #tpu.memory_space<vmem>> -> memref<1x128x128xf32, #tpu.memory_space<vmem>>
        %dma_start3A_543 = tpu.memref_squeeze %dma_start3A_542 : memref<1x128x128xf32, #tpu.memory_space<vmem>> -> memref<128x128xf32, #tpu.memory_space<vmem>>
        %dma_start3A_544 = arith.constant 0 : i32
        %dma_start3A_545 = tpu.memref_slice %arg2[%mul3A_531, %dma_start3A_544] : memref<100000x128xf32, #tpu.memory_space<hbm>> -> memref<128x128xf32, #tpu.memory_space<hbm>>
        tpu.enqueue_dma source(%dma_start3A_545 : memref<128x128xf32, #tpu.memory_space<hbm>>) target(%dma_start3A_543 : memref<128x128xf32, #tpu.memory_space<vmem>>) target_semaphore(%dma_start3A_539 : memref<!tpu.dma_semaphore, #tpu.memory_space<semaphore_mem>>)
        %add3A_546 = arith.addi %add3A_4, %add3A_322 : i32
        %mul3A_547 = arith.constant 128 : i32
        %mul3A_548 = arith.muli %add3A_546, %mul3A_547 : i32
        %dma_start3A_549 = arith.constant 0 : i32
        %dma_start3A_550 = tpu.memref_slice %arg5[%select_n3A_528, %dma_start3A_549] : memref<6x128xi32, #tpu.memory_space<vmem>> -> memref<1x128xi32, #tpu.memory_space<vmem>>
        %dma_start3A_551 = tpu.memref_squeeze %dma_start3A_550 : memref<1x128xi32, #tpu.memory_space<vmem>> -> memref<128xi32, #tpu.memory_space<vmem>>
        %dma_start3A_552 = tpu.memref_slice %arg3[%mul3A_548] : memref<100000xi32, #tpu.memory_space<hbm>> -> memref<128xi32, #tpu.memory_space<hbm>>
        %dma_start3A_553 = tpu.memref_slice %arg10[%select_n3A_528] : memref<6x!tpu.dma_semaphore, #tpu.memory_space<semaphore_mem>> -> memref<1x!tpu.dma_semaphore, #tpu.memory_space<semaphore_mem>>
        %dma_start3A_554 = tpu.memref_squeeze %dma_start3A_553 : memref<1x!tpu.dma_semaphore, #tpu.memory_space<semaphore_mem>> -> memref<!tpu.dma_semaphore, #tpu.memory_space<semaphore_mem>>
        %dma_start3A_555 = arith.constant 0 : i32
        %dma_start3A_556 = tpu.memref_slice %arg5[%select_n3A_528, %dma_start3A_555] : memref<6x128xi32, #tpu.memory_space<vmem>> -> memref<1x128xi32, #tpu.memory_space<vmem>>
        %dma_start3A_557 = tpu.memref_squeeze %dma_start3A_556 : memref<1x128xi32, #tpu.memory_space<vmem>> -> memref<128xi32, #tpu.memory_space<vmem>>
        %dma_start3A_558 = tpu.memref_slice %arg3[%mul3A_548] : memref<100000xi32, #tpu.memory_space<hbm>> -> memref<128xi32, #tpu.memory_space<hbm>>
        tpu.enqueue_dma source(%dma_start3A_558 : memref<128xi32, #tpu.memory_space<hbm>>) target(%dma_start3A_557 : memref<128xi32, #tpu.memory_space<vmem>>) target_semaphore(%dma_start3A_554 : memref<!tpu.dma_semaphore, #tpu.memory_space<semaphore_mem>>)
      } else {
      }
      %eq3A_328 = arith.constant 0 : i32
      %eq3A_329 = arith.cmpi eq, %add3A_149, %eq3A_328 : i32
      %convert_element_type3A_330 = arith.extui %eq3A_329 : i1 to i32
      %cond3A_331 = arith.constant 0 : i32
      %cond3A_332 = arith.cmpi ne, %convert_element_type3A_330, %cond3A_331 : i32
      scf.if %cond3A_332 {
        %jit3A_498 = arith.constant 6 : i32
        %eq3A_499 = arith.constant 0 : i32
        %eq3A_500 = arith.cmpi eq, %jit3A_498, %eq3A_499 : i32
        %jit3A_501 = arith.constant 1 : i32
        %select_n3A_502 = arith.select %eq3A_500, %jit3A_501, %jit3A_498 : i32
        %rem3A = arith.remsi %add3A_322, %select_n3A_502 : i32
        %ne3A = arith.constant 0 : i32
        %ne3A_503 = arith.cmpi ne, %rem3A, %ne3A : i32
        %lt3A_504 = arith.constant 0 : i32
        %lt3A_505 = arith.cmpi slt, %rem3A, %lt3A_504 : i32
        %lt3A_506 = arith.constant 0 : i32
        %lt3A_507 = arith.cmpi slt, %select_n3A_502, %lt3A_506 : i32
        %ne3A_508 = arith.xori %lt3A_505, %lt3A_507 : i1
        %and3A = arith.andi %ne3A_508, %ne3A_503 : i1
        %add3A_509 = arith.addi %rem3A, %select_n3A_502 : i32
        %select_n3A_510 = arith.select %and3A, %add3A_509, %rem3A : i32
        %add3A_511 = arith.addi %add3A_4, %add3A_322 : i32
        %mul3A_512 = arith.constant 128 : i32
        %mul3A_513 = arith.muli %add3A_511, %mul3A_512 : i32
        %dma_start3A_514 = arith.constant 0 : i32
        %dma_start3A_515 = arith.constant 0 : i32
        %dma_start3A_516 = tpu.memref_slice %arg6[%select_n3A_510, %dma_start3A_514, %dma_start3A_515] : memref<6x128x128xf32, #tpu.memory_space<vmem>> -> memref<1x128x128xf32, #tpu.memory_space<vmem>>
        %dma_start3A_517 = tpu.memref_squeeze %dma_start3A_516 : memref<1x128x128xf32, #tpu.memory_space<vmem>> -> memref<128x128xf32, #tpu.memory_space<vmem>>
        %dma_start3A_518 = arith.constant 0 : i32
        %dma_start3A_519 = tpu.memref_slice %arg2[%mul3A_513, %dma_start3A_518] : memref<100000x128xf32, #tpu.memory_space<hbm>> -> memref<128x128xf32, #tpu.memory_space<hbm>>
        %dma_start3A_520 = tpu.memref_slice %arg9[%select_n3A_510] : memref<6x!tpu.dma_semaphore, #tpu.memory_space<semaphore_mem>> -> memref<1x!tpu.dma_semaphore, #tpu.memory_space<semaphore_mem>>
        %dma_start3A_521 = tpu.memref_squeeze %dma_start3A_520 : memref<1x!tpu.dma_semaphore, #tpu.memory_space<semaphore_mem>> -> memref<!tpu.dma_semaphore, #tpu.memory_space<semaphore_mem>>
        %dma_start3A_522 = arith.constant 0 : i32
        %dma_start3A_523 = arith.constant 0 : i32
        %dma_start3A_524 = tpu.memref_slice %arg6[%select_n3A_510, %dma_start3A_522, %dma_start3A_523] : memref<6x128x128xf32, #tpu.memory_space<vmem>> -> memref<1x128x128xf32, #tpu.memory_space<vmem>>
        %dma_start3A_525 = tpu.memref_squeeze %dma_start3A_524 : memref<1x128x128xf32, #tpu.memory_space<vmem>> -> memref<128x128xf32, #tpu.memory_space<vmem>>
        %dma_start3A_526 = arith.constant 0 : i32
        %dma_start3A_527 = tpu.memref_slice %arg2[%mul3A_513, %dma_start3A_526] : memref<100000x128xf32, #tpu.memory_space<hbm>> -> memref<128x128xf32, #tpu.memory_space<hbm>>
        tpu.enqueue_dma source(%dma_start3A_527 : memref<128x128xf32, #tpu.memory_space<hbm>>) target(%dma_start3A_525 : memref<128x128xf32, #tpu.memory_space<vmem>>) target_semaphore(%dma_start3A_521 : memref<!tpu.dma_semaphore, #tpu.memory_space<semaphore_mem>>)
        %add3A_528 = arith.addi %add3A_4, %add3A_322 : i32
        %mul3A_529 = arith.constant 128 : i32
        %mul3A_530 = arith.muli %add3A_528, %mul3A_529 : i32
        %dma_start3A_531 = arith.constant 0 : i32
        %dma_start3A_532 = tpu.memref_slice %arg5[%select_n3A_510, %dma_start3A_531] : memref<6x128xi32, #tpu.memory_space<vmem>> -> memref<1x128xi32, #tpu.memory_space<vmem>>
        %dma_start3A_533 = tpu.memref_squeeze %dma_start3A_532 : memref<1x128xi32, #tpu.memory_space<vmem>> -> memref<128xi32, #tpu.memory_space<vmem>>
        %dma_start3A_534 = tpu.memref_slice %arg3[%mul3A_530] : memref<100000xi32, #tpu.memory_space<hbm>> -> memref<128xi32, #tpu.memory_space<hbm>>
        %dma_start3A_535 = tpu.memref_slice %arg10[%select_n3A_510] : memref<6x!tpu.dma_semaphore, #tpu.memory_space<semaphore_mem>> -> memref<1x!tpu.dma_semaphore, #tpu.memory_space<semaphore_mem>>
        %dma_start3A_536 = tpu.memref_squeeze %dma_start3A_535 : memref<1x!tpu.dma_semaphore, #tpu.memory_space<semaphore_mem>> -> memref<!tpu.dma_semaphore, #tpu.memory_space<semaphore_mem>>
        %dma_start3A_537 = arith.constant 0 : i32
        %dma_start3A_538 = tpu.memref_slice %arg5[%select_n3A_510, %dma_start3A_537] : memref<6x128xi32, #tpu.memory_space<vmem>> -> memref<1x128xi32, #tpu.memory_space<vmem>>
        %dma_start3A_539 = tpu.memref_squeeze %dma_start3A_538 : memref<1x128xi32, #tpu.memory_space<vmem>> -> memref<128xi32, #tpu.memory_space<vmem>>
        %dma_start3A_540 = tpu.memref_slice %arg3[%mul3A_530] : memref<100000xi32, #tpu.memory_space<hbm>> -> memref<128xi32, #tpu.memory_space<hbm>>
        tpu.enqueue_dma source(%dma_start3A_540 : memref<128xi32, #tpu.memory_space<hbm>>) target(%dma_start3A_539 : memref<128xi32, #tpu.memory_space<vmem>>) target_semaphore(%dma_start3A_536 : memref<!tpu.dma_semaphore, #tpu.memory_space<semaphore_mem>>)
      } else {
      }
      %add3A_333 = arith.constant 3 : i32
      %add3A_334 = arith.addi %mul3A_151, %add3A_333 : i32
      %dma_wait3A_335 = arith.constant 0 : i32
      %dma_wait3A_336 = arith.constant 3 : i32
      %dma_wait3A_337 = arith.constant 0 : i32
      %dma_wait3A_338 = arith.constant 0 : i32
      %dma_wait3A_339 = tpu.memref_slice %arg6[%dma_wait3A_335, %dma_wait3A_337, %dma_wait3A_338] : memref<6x128x128xf32, #tpu.memory_space<vmem>> -> memref<1x128x128xf32, #tpu.memory_space<vmem>>
      %dma_wait3A_340 = tpu.memref_squeeze %dma_wait3A_339 : memref<1x128x128xf32, #tpu.memory_space<vmem>> -> memref<128x128xf32, #tpu.memory_space<vmem>>
      %dma_wait3A_341 = arith.constant 0 : i32
      %dma_wait3A_342 = arith.constant 0 : i32
      %dma_wait3A_343 = tpu.memref_slice %arg2[%dma_wait3A_341, %dma_wait3A_342] : memref<100000x128xf32, #tpu.memory_space<hbm>> -> memref<128x128xf32, #tpu.memory_space<hbm>>
      %dma_wait3A_344 = tpu.memref_slice %arg9[%dma_wait3A_336] : memref<6x!tpu.dma_semaphore, #tpu.memory_space<semaphore_mem>> -> memref<1x!tpu.dma_semaphore, #tpu.memory_space<semaphore_mem>>
      %dma_wait3A_345 = tpu.memref_squeeze %dma_wait3A_344 : memref<1x!tpu.dma_semaphore, #tpu.memory_space<semaphore_mem>> -> memref<!tpu.dma_semaphore, #tpu.memory_space<semaphore_mem>>
      %dma_wait3A_346 = arith.constant 0 : i32
      %dma_wait3A_347 = arith.constant 0 : i32
      %dma_wait3A_348 = tpu.memref_slice %arg6[%dma_wait3A_335, %dma_wait3A_346, %dma_wait3A_347] : memref<6x128x128xf32, #tpu.memory_space<vmem>> -> memref<1x128x128xf32, #tpu.memory_space<vmem>>
      %dma_wait3A_349 = tpu.memref_squeeze %dma_wait3A_348 : memref<1x128x128xf32, #tpu.memory_space<vmem>> -> memref<128x128xf32, #tpu.memory_space<vmem>>
      %dma_wait3A_350 = arith.constant 0 : i32
      %dma_wait3A_351 = arith.constant 0 : i32
      %dma_wait3A_352 = tpu.memref_slice %arg2[%dma_wait3A_350, %dma_wait3A_351] : memref<100000x128xf32, #tpu.memory_space<hbm>> -> memref<128x128xf32, #tpu.memory_space<hbm>>
      tpu.wait_dma2 semaphore(%dma_wait3A_345 : memref<!tpu.dma_semaphore, #tpu.memory_space<semaphore_mem>>) src(%dma_wait3A_352 : memref<128x128xf32, #tpu.memory_space<hbm>>) dst(%dma_wait3A_349 : memref<128x128xf32, #tpu.memory_space<vmem>>)
      %dma_wait3A_353 = arith.constant 0 : i32
      %dma_wait3A_354 = arith.constant 3 : i32
      %dma_wait3A_355 = arith.constant 0 : i32
      %dma_wait3A_356 = tpu.memref_slice %arg5[%dma_wait3A_353, %dma_wait3A_355] : memref<6x128xi32, #tpu.memory_space<vmem>> -> memref<1x128xi32, #tpu.memory_space<vmem>>
      %dma_wait3A_357 = tpu.memref_squeeze %dma_wait3A_356 : memref<1x128xi32, #tpu.memory_space<vmem>> -> memref<128xi32, #tpu.memory_space<vmem>>
      %dma_wait3A_358 = arith.constant 0 : i32
      %dma_wait3A_359 = tpu.memref_slice %arg3[%dma_wait3A_358] : memref<100000xi32, #tpu.memory_space<hbm>> -> memref<128xi32, #tpu.memory_space<hbm>>
      %dma_wait3A_360 = tpu.memref_slice %arg10[%dma_wait3A_354] : memref<6x!tpu.dma_semaphore, #tpu.memory_space<semaphore_mem>> -> memref<1x!tpu.dma_semaphore, #tpu.memory_space<semaphore_mem>>
      %dma_wait3A_361 = tpu.memref_squeeze %dma_wait3A_360 : memref<1x!tpu.dma_semaphore, #tpu.memory_space<semaphore_mem>> -> memref<!tpu.dma_semaphore, #tpu.memory_space<semaphore_mem>>
      %dma_wait3A_362 = arith.constant 0 : i32
      %dma_wait3A_363 = tpu.memref_slice %arg5[%dma_wait3A_353, %dma_wait3A_362] : memref<6x128xi32, #tpu.memory_space<vmem>> -> memref<1x128xi32, #tpu.memory_space<vmem>>
      %dma_wait3A_364 = tpu.memref_squeeze %dma_wait3A_363 : memref<1x128xi32, #tpu.memory_space<vmem>> -> memref<128xi32, #tpu.memory_space<vmem>>
      %dma_wait3A_365 = arith.constant 0 : i32
      %dma_wait3A_366 = tpu.memref_slice %arg3[%dma_wait3A_365] : memref<100000xi32, #tpu.memory_space<hbm>> -> memref<128xi32, #tpu.memory_space<hbm>>
      tpu.wait_dma2 semaphore(%dma_wait3A_361 : memref<!tpu.dma_semaphore, #tpu.memory_space<semaphore_mem>>) src(%dma_wait3A_366 : memref<128xi32, #tpu.memory_space<hbm>>) dst(%dma_wait3A_364 : memref<128xi32, #tpu.memory_space<vmem>>)
      %dma_start3A_367 = arith.constant 3 : i32
      %dma_start3A_368 = arith.constant 3 : i32
      %dma_start3A_369 = arith.constant 3 : i32
      %dma_start3A_370 = arith.constant 0 : i32
      %dma_start3A_371 = arith.constant 0 : i32
      %dma_start3A_372 = tpu.memref_slice %arg6[%dma_start3A_367, %dma_start3A_370, %dma_start3A_371] : memref<6x128x128xf32, #tpu.memory_space<vmem>> -> memref<1x128x128xf32, #tpu.memory_space<vmem>>
      %dma_start3A_373 = tpu.memref_squeeze %dma_start3A_372 : memref<1x128x128xf32, #tpu.memory_space<vmem>> -> memref<128x128xf32, #tpu.memory_space<vmem>>
      %dma_start3A_374 = arith.constant 0 : i32
      %dma_start3A_375 = tpu.memref_slice %arg5[%dma_start3A_368, %dma_start3A_374] : memref<6x128xi32, #tpu.memory_space<vmem>> -> memref<1x128xi32, #tpu.memory_space<vmem>>
      %dma_start3A_376 = tpu.memref_squeeze %dma_start3A_375 : memref<1x128xi32, #tpu.memory_space<vmem>> -> memref<128xi32, #tpu.memory_space<vmem>>
      %dma_start3A_377 = arith.constant 0 : i32
      %dma_start3A_378 = arith.constant 0 : i32
      %dma_start3A_379 = tpu.memref_slice %arg8[%dma_start3A_377, %dma_start3A_378] : memref<512x128xf32, #tpu.memory_space<vmem_shared>> -> memref<512x128xf32, #tpu.memory_space<vmem_shared>>
      %dma_start3A_380 = tpu.memref_slice %arg11[%dma_start3A_369] : memref<6x!tpu.dma_semaphore, #tpu.memory_space<semaphore_mem>> -> memref<1x!tpu.dma_semaphore, #tpu.memory_space<semaphore_mem>>
      %dma_start3A_381 = tpu.memref_squeeze %dma_start3A_380 : memref<1x!tpu.dma_semaphore, #tpu.memory_space<semaphore_mem>> -> memref<!tpu.dma_semaphore, #tpu.memory_space<semaphore_mem>>
      tpu.enqueue_indirect_dma source(%dma_start3A_373 : memref<128x128xf32, #tpu.memory_space<vmem>>) target(%dma_start3A_379 : memref<512x128xf32, #tpu.memory_space<vmem_shared>>) offsets(%dma_start3A_376 : memref<128xi32, #tpu.memory_space<vmem>>) semaphore(%dma_start3A_381 : memref<!tpu.dma_semaphore, #tpu.memory_space<semaphore_mem>>) {add = true}
      %add3A_382 = arith.constant 3 : i32
      %add3A_383 = arith.addi %add3A_334, %add3A_382 : i32
      %lt3A_384 = arith.cmpi slt, %add3A_383, %select_n3A : i32
      %convert_element_type3A_385 = arith.extui %lt3A_384 : i1 to i32
      %cond3A_386 = arith.constant 0 : i32
      %cond3A_387 = arith.cmpi ne, %convert_element_type3A_385, %cond3A_386 : i32
      scf.if %cond3A_387 {
        %dma_wait3A_498 = arith.constant 0 : i32
        %dma_wait3A_499 = arith.constant 0 : i32
        %dma_wait3A_500 = arith.constant 0 : i32
        %dma_wait3A_501 = arith.constant 0 : i32
        %dma_wait3A_502 = tpu.memref_slice %arg6[%dma_wait3A_498, %dma_wait3A_500, %dma_wait3A_501] : memref<6x128x128xf32, #tpu.memory_space<vmem>> -> memref<1x128x128xf32, #tpu.memory_space<vmem>>
        %dma_wait3A_503 = tpu.memref_squeeze %dma_wait3A_502 : memref<1x128x128xf32, #tpu.memory_space<vmem>> -> memref<128x128xf32, #tpu.memory_space<vmem>>
        %dma_wait3A_504 = arith.constant 0 : i32
        %dma_wait3A_505 = arith.constant 0 : i32
        %dma_wait3A_506 = tpu.memref_slice %arg2[%dma_wait3A_504, %dma_wait3A_505] : memref<100000x128xf32, #tpu.memory_space<hbm>> -> memref<128x128xf32, #tpu.memory_space<hbm>>
        %dma_wait3A_507 = tpu.memref_slice %arg11[%dma_wait3A_499] : memref<6x!tpu.dma_semaphore, #tpu.memory_space<semaphore_mem>> -> memref<1x!tpu.dma_semaphore, #tpu.memory_space<semaphore_mem>>
        %dma_wait3A_508 = tpu.memref_squeeze %dma_wait3A_507 : memref<1x!tpu.dma_semaphore, #tpu.memory_space<semaphore_mem>> -> memref<!tpu.dma_semaphore, #tpu.memory_space<semaphore_mem>>
        %dma_wait3A_509 = arith.constant 0 : i32
        %dma_wait3A_510 = arith.constant 0 : i32
        %dma_wait3A_511 = tpu.memref_slice %arg6[%dma_wait3A_498, %dma_wait3A_509, %dma_wait3A_510] : memref<6x128x128xf32, #tpu.memory_space<vmem>> -> memref<1x128x128xf32, #tpu.memory_space<vmem>>
        %dma_wait3A_512 = tpu.memref_squeeze %dma_wait3A_511 : memref<1x128x128xf32, #tpu.memory_space<vmem>> -> memref<128x128xf32, #tpu.memory_space<vmem>>
        %dma_wait3A_513 = arith.constant 0 : i32
        %dma_wait3A_514 = arith.constant 0 : i32
        %dma_wait3A_515 = tpu.memref_slice %arg2[%dma_wait3A_513, %dma_wait3A_514] : memref<100000x128xf32, #tpu.memory_space<hbm>> -> memref<128x128xf32, #tpu.memory_space<hbm>>
        tpu.wait_dma2 semaphore(%dma_wait3A_508 : memref<!tpu.dma_semaphore, #tpu.memory_space<semaphore_mem>>) src(%dma_wait3A_515 : memref<128x128xf32, #tpu.memory_space<hbm>>) dst(%dma_wait3A_512 : memref<128x128xf32, #tpu.memory_space<vmem>>)
        %jit3A_516 = arith.constant 6 : i32
        %eq3A_517 = arith.constant 0 : i32
        %eq3A_518 = arith.cmpi eq, %jit3A_516, %eq3A_517 : i32
        %jit3A_519 = arith.constant 1 : i32
        %select_n3A_520 = arith.select %eq3A_518, %jit3A_519, %jit3A_516 : i32
        %rem3A = arith.remsi %add3A_383, %select_n3A_520 : i32
        %ne3A = arith.constant 0 : i32
        %ne3A_521 = arith.cmpi ne, %rem3A, %ne3A : i32
        %lt3A_522 = arith.constant 0 : i32
        %lt3A_523 = arith.cmpi slt, %rem3A, %lt3A_522 : i32
        %lt3A_524 = arith.constant 0 : i32
        %lt3A_525 = arith.cmpi slt, %select_n3A_520, %lt3A_524 : i32
        %ne3A_526 = arith.xori %lt3A_523, %lt3A_525 : i1
        %and3A = arith.andi %ne3A_526, %ne3A_521 : i1
        %add3A_527 = arith.addi %rem3A, %select_n3A_520 : i32
        %select_n3A_528 = arith.select %and3A, %add3A_527, %rem3A : i32
        %add3A_529 = arith.addi %add3A_4, %add3A_383 : i32
        %mul3A_530 = arith.constant 128 : i32
        %mul3A_531 = arith.muli %add3A_529, %mul3A_530 : i32
        %dma_start3A_532 = arith.constant 0 : i32
        %dma_start3A_533 = arith.constant 0 : i32
        %dma_start3A_534 = tpu.memref_slice %arg6[%select_n3A_528, %dma_start3A_532, %dma_start3A_533] : memref<6x128x128xf32, #tpu.memory_space<vmem>> -> memref<1x128x128xf32, #tpu.memory_space<vmem>>
        %dma_start3A_535 = tpu.memref_squeeze %dma_start3A_534 : memref<1x128x128xf32, #tpu.memory_space<vmem>> -> memref<128x128xf32, #tpu.memory_space<vmem>>
        %dma_start3A_536 = arith.constant 0 : i32
        %dma_start3A_537 = tpu.memref_slice %arg2[%mul3A_531, %dma_start3A_536] : memref<100000x128xf32, #tpu.memory_space<hbm>> -> memref<128x128xf32, #tpu.memory_space<hbm>>
        %dma_start3A_538 = tpu.memref_slice %arg9[%select_n3A_528] : memref<6x!tpu.dma_semaphore, #tpu.memory_space<semaphore_mem>> -> memref<1x!tpu.dma_semaphore, #tpu.memory_space<semaphore_mem>>
        %dma_start3A_539 = tpu.memref_squeeze %dma_start3A_538 : memref<1x!tpu.dma_semaphore, #tpu.memory_space<semaphore_mem>> -> memref<!tpu.dma_semaphore, #tpu.memory_space<semaphore_mem>>
        %dma_start3A_540 = arith.constant 0 : i32
        %dma_start3A_541 = arith.constant 0 : i32
        %dma_start3A_542 = tpu.memref_slice %arg6[%select_n3A_528, %dma_start3A_540, %dma_start3A_541] : memref<6x128x128xf32, #tpu.memory_space<vmem>> -> memref<1x128x128xf32, #tpu.memory_space<vmem>>
        %dma_start3A_543 = tpu.memref_squeeze %dma_start3A_542 : memref<1x128x128xf32, #tpu.memory_space<vmem>> -> memref<128x128xf32, #tpu.memory_space<vmem>>
        %dma_start3A_544 = arith.constant 0 : i32
        %dma_start3A_545 = tpu.memref_slice %arg2[%mul3A_531, %dma_start3A_544] : memref<100000x128xf32, #tpu.memory_space<hbm>> -> memref<128x128xf32, #tpu.memory_space<hbm>>
        tpu.enqueue_dma source(%dma_start3A_545 : memref<128x128xf32, #tpu.memory_space<hbm>>) target(%dma_start3A_543 : memref<128x128xf32, #tpu.memory_space<vmem>>) target_semaphore(%dma_start3A_539 : memref<!tpu.dma_semaphore, #tpu.memory_space<semaphore_mem>>)
        %add3A_546 = arith.addi %add3A_4, %add3A_383 : i32
        %mul3A_547 = arith.constant 128 : i32
        %mul3A_548 = arith.muli %add3A_546, %mul3A_547 : i32
        %dma_start3A_549 = arith.constant 0 : i32
        %dma_start3A_550 = tpu.memref_slice %arg5[%select_n3A_528, %dma_start3A_549] : memref<6x128xi32, #tpu.memory_space<vmem>> -> memref<1x128xi32, #tpu.memory_space<vmem>>
        %dma_start3A_551 = tpu.memref_squeeze %dma_start3A_550 : memref<1x128xi32, #tpu.memory_space<vmem>> -> memref<128xi32, #tpu.memory_space<vmem>>
        %dma_start3A_552 = tpu.memref_slice %arg3[%mul3A_548] : memref<100000xi32, #tpu.memory_space<hbm>> -> memref<128xi32, #tpu.memory_space<hbm>>
        %dma_start3A_553 = tpu.memref_slice %arg10[%select_n3A_528] : memref<6x!tpu.dma_semaphore, #tpu.memory_space<semaphore_mem>> -> memref<1x!tpu.dma_semaphore, #tpu.memory_space<semaphore_mem>>
        %dma_start3A_554 = tpu.memref_squeeze %dma_start3A_553 : memref<1x!tpu.dma_semaphore, #tpu.memory_space<semaphore_mem>> -> memref<!tpu.dma_semaphore, #tpu.memory_space<semaphore_mem>>
        %dma_start3A_555 = arith.constant 0 : i32
        %dma_start3A_556 = tpu.memref_slice %arg5[%select_n3A_528, %dma_start3A_555] : memref<6x128xi32, #tpu.memory_space<vmem>> -> memref<1x128xi32, #tpu.memory_space<vmem>>
        %dma_start3A_557 = tpu.memref_squeeze %dma_start3A_556 : memref<1x128xi32, #tpu.memory_space<vmem>> -> memref<128xi32, #tpu.memory_space<vmem>>
        %dma_start3A_558 = tpu.memref_slice %arg3[%mul3A_548] : memref<100000xi32, #tpu.memory_space<hbm>> -> memref<128xi32, #tpu.memory_space<hbm>>
        tpu.enqueue_dma source(%dma_start3A_558 : memref<128xi32, #tpu.memory_space<hbm>>) target(%dma_start3A_557 : memref<128xi32, #tpu.memory_space<vmem>>) target_semaphore(%dma_start3A_554 : memref<!tpu.dma_semaphore, #tpu.memory_space<semaphore_mem>>)
      } else {
      }
      %add3A_388 = arith.constant 4 : i32
      %add3A_389 = arith.addi %mul3A_151, %add3A_388 : i32
      %dma_wait3A_390 = arith.constant 0 : i32
      %dma_wait3A_391 = arith.constant 4 : i32
      %dma_wait3A_392 = arith.constant 0 : i32
      %dma_wait3A_393 = arith.constant 0 : i32
      %dma_wait3A_394 = tpu.memref_slice %arg6[%dma_wait3A_390, %dma_wait3A_392, %dma_wait3A_393] : memref<6x128x128xf32, #tpu.memory_space<vmem>> -> memref<1x128x128xf32, #tpu.memory_space<vmem>>
      %dma_wait3A_395 = tpu.memref_squeeze %dma_wait3A_394 : memref<1x128x128xf32, #tpu.memory_space<vmem>> -> memref<128x128xf32, #tpu.memory_space<vmem>>
      %dma_wait3A_396 = arith.constant 0 : i32
      %dma_wait3A_397 = arith.constant 0 : i32
      %dma_wait3A_398 = tpu.memref_slice %arg2[%dma_wait3A_396, %dma_wait3A_397] : memref<100000x128xf32, #tpu.memory_space<hbm>> -> memref<128x128xf32, #tpu.memory_space<hbm>>
      %dma_wait3A_399 = tpu.memref_slice %arg9[%dma_wait3A_391] : memref<6x!tpu.dma_semaphore, #tpu.memory_space<semaphore_mem>> -> memref<1x!tpu.dma_semaphore, #tpu.memory_space<semaphore_mem>>
      %dma_wait3A_400 = tpu.memref_squeeze %dma_wait3A_399 : memref<1x!tpu.dma_semaphore, #tpu.memory_space<semaphore_mem>> -> memref<!tpu.dma_semaphore, #tpu.memory_space<semaphore_mem>>
      %dma_wait3A_401 = arith.constant 0 : i32
      %dma_wait3A_402 = arith.constant 0 : i32
      %dma_wait3A_403 = tpu.memref_slice %arg6[%dma_wait3A_390, %dma_wait3A_401, %dma_wait3A_402] : memref<6x128x128xf32, #tpu.memory_space<vmem>> -> memref<1x128x128xf32, #tpu.memory_space<vmem>>
      %dma_wait3A_404 = tpu.memref_squeeze %dma_wait3A_403 : memref<1x128x128xf32, #tpu.memory_space<vmem>> -> memref<128x128xf32, #tpu.memory_space<vmem>>
      %dma_wait3A_405 = arith.constant 0 : i32
      %dma_wait3A_406 = arith.constant 0 : i32
      %dma_wait3A_407 = tpu.memref_slice %arg2[%dma_wait3A_405, %dma_wait3A_406] : memref<100000x128xf32, #tpu.memory_space<hbm>> -> memref<128x128xf32, #tpu.memory_space<hbm>>
      tpu.wait_dma2 semaphore(%dma_wait3A_400 : memref<!tpu.dma_semaphore, #tpu.memory_space<semaphore_mem>>) src(%dma_wait3A_407 : memref<128x128xf32, #tpu.memory_space<hbm>>) dst(%dma_wait3A_404 : memref<128x128xf32, #tpu.memory_space<vmem>>)
      %dma_wait3A_408 = arith.constant 0 : i32
      %dma_wait3A_409 = arith.constant 4 : i32
      %dma_wait3A_410 = arith.constant 0 : i32
      %dma_wait3A_411 = tpu.memref_slice %arg5[%dma_wait3A_408, %dma_wait3A_410] : memref<6x128xi32, #tpu.memory_space<vmem>> -> memref<1x128xi32, #tpu.memory_space<vmem>>
      %dma_wait3A_412 = tpu.memref_squeeze %dma_wait3A_411 : memref<1x128xi32, #tpu.memory_space<vmem>> -> memref<128xi32, #tpu.memory_space<vmem>>
      %dma_wait3A_413 = arith.constant 0 : i32
      %dma_wait3A_414 = tpu.memref_slice %arg3[%dma_wait3A_413] : memref<100000xi32, #tpu.memory_space<hbm>> -> memref<128xi32, #tpu.memory_space<hbm>>
      %dma_wait3A_415 = tpu.memref_slice %arg10[%dma_wait3A_409] : memref<6x!tpu.dma_semaphore, #tpu.memory_space<semaphore_mem>> -> memref<1x!tpu.dma_semaphore, #tpu.memory_space<semaphore_mem>>
      %dma_wait3A_416 = tpu.memref_squeeze %dma_wait3A_415 : memref<1x!tpu.dma_semaphore, #tpu.memory_space<semaphore_mem>> -> memref<!tpu.dma_semaphore, #tpu.memory_space<semaphore_mem>>
      %dma_wait3A_417 = arith.constant 0 : i32
      %dma_wait3A_418 = tpu.memref_slice %arg5[%dma_wait3A_408, %dma_wait3A_417] : memref<6x128xi32, #tpu.memory_space<vmem>> -> memref<1x128xi32, #tpu.memory_space<vmem>>
      %dma_wait3A_419 = tpu.memref_squeeze %dma_wait3A_418 : memref<1x128xi32, #tpu.memory_space<vmem>> -> memref<128xi32, #tpu.memory_space<vmem>>
      %dma_wait3A_420 = arith.constant 0 : i32
      %dma_wait3A_421 = tpu.memref_slice %arg3[%dma_wait3A_420] : memref<100000xi32, #tpu.memory_space<hbm>> -> memref<128xi32, #tpu.memory_space<hbm>>
      tpu.wait_dma2 semaphore(%dma_wait3A_416 : memref<!tpu.dma_semaphore, #tpu.memory_space<semaphore_mem>>) src(%dma_wait3A_421 : memref<128xi32, #tpu.memory_space<hbm>>) dst(%dma_wait3A_419 : memref<128xi32, #tpu.memory_space<vmem>>)
      %dma_start3A_422 = arith.constant 4 : i32
      %dma_start3A_423 = arith.constant 4 : i32
      %dma_start3A_424 = arith.constant 4 : i32
      %dma_start3A_425 = arith.constant 0 : i32
      %dma_start3A_426 = arith.constant 0 : i32
      %dma_start3A_427 = tpu.memref_slice %arg6[%dma_start3A_422, %dma_start3A_425, %dma_start3A_426] : memref<6x128x128xf32, #tpu.memory_space<vmem>> -> memref<1x128x128xf32, #tpu.memory_space<vmem>>
      %dma_start3A_428 = tpu.memref_squeeze %dma_start3A_427 : memref<1x128x128xf32, #tpu.memory_space<vmem>> -> memref<128x128xf32, #tpu.memory_space<vmem>>
      %dma_start3A_429 = arith.constant 0 : i32
      %dma_start3A_430 = tpu.memref_slice %arg5[%dma_start3A_423, %dma_start3A_429] : memref<6x128xi32, #tpu.memory_space<vmem>> -> memref<1x128xi32, #tpu.memory_space<vmem>>
      %dma_start3A_431 = tpu.memref_squeeze %dma_start3A_430 : memref<1x128xi32, #tpu.memory_space<vmem>> -> memref<128xi32, #tpu.memory_space<vmem>>
      %dma_start3A_432 = arith.constant 0 : i32
      %dma_start3A_433 = arith.constant 0 : i32
      %dma_start3A_434 = tpu.memref_slice %arg8[%dma_start3A_432, %dma_start3A_433] : memref<512x128xf32, #tpu.memory_space<vmem_shared>> -> memref<512x128xf32, #tpu.memory_space<vmem_shared>>
      %dma_start3A_435 = tpu.memref_slice %arg11[%dma_start3A_424] : memref<6x!tpu.dma_semaphore, #tpu.memory_space<semaphore_mem>> -> memref<1x!tpu.dma_semaphore, #tpu.memory_space<semaphore_mem>>
      %dma_start3A_436 = tpu.memref_squeeze %dma_start3A_435 : memref<1x!tpu.dma_semaphore, #tpu.memory_space<semaphore_mem>> -> memref<!tpu.dma_semaphore, #tpu.memory_space<semaphore_mem>>
      tpu.enqueue_indirect_dma source(%dma_start3A_428 : memref<128x128xf32, #tpu.memory_space<vmem>>) target(%dma_start3A_434 : memref<512x128xf32, #tpu.memory_space<vmem_shared>>) offsets(%dma_start3A_431 : memref<128xi32, #tpu.memory_space<vmem>>) semaphore(%dma_start3A_436 : memref<!tpu.dma_semaphore, #tpu.memory_space<semaphore_mem>>) {add = true}
      %add3A_437 = arith.constant 3 : i32
      %add3A_438 = arith.addi %add3A_389, %add3A_437 : i32
      %lt3A_439 = arith.cmpi slt, %add3A_438, %select_n3A : i32
      %convert_element_type3A_440 = arith.extui %lt3A_439 : i1 to i32
      %cond3A_441 = arith.constant 0 : i32
      %cond3A_442 = arith.cmpi ne, %convert_element_type3A_440, %cond3A_441 : i32
      scf.if %cond3A_442 {
        %dma_wait3A_498 = arith.constant 0 : i32
        %dma_wait3A_499 = arith.constant 1 : i32
        %dma_wait3A_500 = arith.constant 0 : i32
        %dma_wait3A_501 = arith.constant 0 : i32
        %dma_wait3A_502 = tpu.memref_slice %arg6[%dma_wait3A_498, %dma_wait3A_500, %dma_wait3A_501] : memref<6x128x128xf32, #tpu.memory_space<vmem>> -> memref<1x128x128xf32, #tpu.memory_space<vmem>>
        %dma_wait3A_503 = tpu.memref_squeeze %dma_wait3A_502 : memref<1x128x128xf32, #tpu.memory_space<vmem>> -> memref<128x128xf32, #tpu.memory_space<vmem>>
        %dma_wait3A_504 = arith.constant 0 : i32
        %dma_wait3A_505 = arith.constant 0 : i32
        %dma_wait3A_506 = tpu.memref_slice %arg2[%dma_wait3A_504, %dma_wait3A_505] : memref<100000x128xf32, #tpu.memory_space<hbm>> -> memref<128x128xf32, #tpu.memory_space<hbm>>
        %dma_wait3A_507 = tpu.memref_slice %arg11[%dma_wait3A_499] : memref<6x!tpu.dma_semaphore, #tpu.memory_space<semaphore_mem>> -> memref<1x!tpu.dma_semaphore, #tpu.memory_space<semaphore_mem>>
        %dma_wait3A_508 = tpu.memref_squeeze %dma_wait3A_507 : memref<1x!tpu.dma_semaphore, #tpu.memory_space<semaphore_mem>> -> memref<!tpu.dma_semaphore, #tpu.memory_space<semaphore_mem>>
        %dma_wait3A_509 = arith.constant 0 : i32
        %dma_wait3A_510 = arith.constant 0 : i32
        %dma_wait3A_511 = tpu.memref_slice %arg6[%dma_wait3A_498, %dma_wait3A_509, %dma_wait3A_510] : memref<6x128x128xf32, #tpu.memory_space<vmem>> -> memref<1x128x128xf32, #tpu.memory_space<vmem>>
        %dma_wait3A_512 = tpu.memref_squeeze %dma_wait3A_511 : memref<1x128x128xf32, #tpu.memory_space<vmem>> -> memref<128x128xf32, #tpu.memory_space<vmem>>
        %dma_wait3A_513 = arith.constant 0 : i32
        %dma_wait3A_514 = arith.constant 0 : i32
        %dma_wait3A_515 = tpu.memref_slice %arg2[%dma_wait3A_513, %dma_wait3A_514] : memref<100000x128xf32, #tpu.memory_space<hbm>> -> memref<128x128xf32, #tpu.memory_space<hbm>>
        tpu.wait_dma2 semaphore(%dma_wait3A_508 : memref<!tpu.dma_semaphore, #tpu.memory_space<semaphore_mem>>) src(%dma_wait3A_515 : memref<128x128xf32, #tpu.memory_space<hbm>>) dst(%dma_wait3A_512 : memref<128x128xf32, #tpu.memory_space<vmem>>)
        %jit3A_516 = arith.constant 6 : i32
        %eq3A_517 = arith.constant 0 : i32
        %eq3A_518 = arith.cmpi eq, %jit3A_516, %eq3A_517 : i32
        %jit3A_519 = arith.constant 1 : i32
        %select_n3A_520 = arith.select %eq3A_518, %jit3A_519, %jit3A_516 : i32
        %rem3A = arith.remsi %add3A_438, %select_n3A_520 : i32
        %ne3A = arith.constant 0 : i32
        %ne3A_521 = arith.cmpi ne, %rem3A, %ne3A : i32
        %lt3A_522 = arith.constant 0 : i32
        %lt3A_523 = arith.cmpi slt, %rem3A, %lt3A_522 : i32
        %lt3A_524 = arith.constant 0 : i32
        %lt3A_525 = arith.cmpi slt, %select_n3A_520, %lt3A_524 : i32
        %ne3A_526 = arith.xori %lt3A_523, %lt3A_525 : i1
        %and3A = arith.andi %ne3A_526, %ne3A_521 : i1
        %add3A_527 = arith.addi %rem3A, %select_n3A_520 : i32
        %select_n3A_528 = arith.select %and3A, %add3A_527, %rem3A : i32
        %add3A_529 = arith.addi %add3A_4, %add3A_438 : i32
        %mul3A_530 = arith.constant 128 : i32
        %mul3A_531 = arith.muli %add3A_529, %mul3A_530 : i32
        %dma_start3A_532 = arith.constant 0 : i32
        %dma_start3A_533 = arith.constant 0 : i32
        %dma_start3A_534 = tpu.memref_slice %arg6[%select_n3A_528, %dma_start3A_532, %dma_start3A_533] : memref<6x128x128xf32, #tpu.memory_space<vmem>> -> memref<1x128x128xf32, #tpu.memory_space<vmem>>
        %dma_start3A_535 = tpu.memref_squeeze %dma_start3A_534 : memref<1x128x128xf32, #tpu.memory_space<vmem>> -> memref<128x128xf32, #tpu.memory_space<vmem>>
        %dma_start3A_536 = arith.constant 0 : i32
        %dma_start3A_537 = tpu.memref_slice %arg2[%mul3A_531, %dma_start3A_536] : memref<100000x128xf32, #tpu.memory_space<hbm>> -> memref<128x128xf32, #tpu.memory_space<hbm>>
        %dma_start3A_538 = tpu.memref_slice %arg9[%select_n3A_528] : memref<6x!tpu.dma_semaphore, #tpu.memory_space<semaphore_mem>> -> memref<1x!tpu.dma_semaphore, #tpu.memory_space<semaphore_mem>>
        %dma_start3A_539 = tpu.memref_squeeze %dma_start3A_538 : memref<1x!tpu.dma_semaphore, #tpu.memory_space<semaphore_mem>> -> memref<!tpu.dma_semaphore, #tpu.memory_space<semaphore_mem>>
        %dma_start3A_540 = arith.constant 0 : i32
        %dma_start3A_541 = arith.constant 0 : i32
        %dma_start3A_542 = tpu.memref_slice %arg6[%select_n3A_528, %dma_start3A_540, %dma_start3A_541] : memref<6x128x128xf32, #tpu.memory_space<vmem>> -> memref<1x128x128xf32, #tpu.memory_space<vmem>>
        %dma_start3A_543 = tpu.memref_squeeze %dma_start3A_542 : memref<1x128x128xf32, #tpu.memory_space<vmem>> -> memref<128x128xf32, #tpu.memory_space<vmem>>
        %dma_start3A_544 = arith.constant 0 : i32
        %dma_start3A_545 = tpu.memref_slice %arg2[%mul3A_531, %dma_start3A_544] : memref<100000x128xf32, #tpu.memory_space<hbm>> -> memref<128x128xf32, #tpu.memory_space<hbm>>
        tpu.enqueue_dma source(%dma_start3A_545 : memref<128x128xf32, #tpu.memory_space<hbm>>) target(%dma_start3A_543 : memref<128x128xf32, #tpu.memory_space<vmem>>) target_semaphore(%dma_start3A_539 : memref<!tpu.dma_semaphore, #tpu.memory_space<semaphore_mem>>)
        %add3A_546 = arith.addi %add3A_4, %add3A_438 : i32
        %mul3A_547 = arith.constant 128 : i32
        %mul3A_548 = arith.muli %add3A_546, %mul3A_547 : i32
        %dma_start3A_549 = arith.constant 0 : i32
        %dma_start3A_550 = tpu.memref_slice %arg5[%select_n3A_528, %dma_start3A_549] : memref<6x128xi32, #tpu.memory_space<vmem>> -> memref<1x128xi32, #tpu.memory_space<vmem>>
        %dma_start3A_551 = tpu.memref_squeeze %dma_start3A_550 : memref<1x128xi32, #tpu.memory_space<vmem>> -> memref<128xi32, #tpu.memory_space<vmem>>
        %dma_start3A_552 = tpu.memref_slice %arg3[%mul3A_548] : memref<100000xi32, #tpu.memory_space<hbm>> -> memref<128xi32, #tpu.memory_space<hbm>>
        %dma_start3A_553 = tpu.memref_slice %arg10[%select_n3A_528] : memref<6x!tpu.dma_semaphore, #tpu.memory_space<semaphore_mem>> -> memref<1x!tpu.dma_semaphore, #tpu.memory_space<semaphore_mem>>
        %dma_start3A_554 = tpu.memref_squeeze %dma_start3A_553 : memref<1x!tpu.dma_semaphore, #tpu.memory_space<semaphore_mem>> -> memref<!tpu.dma_semaphore, #tpu.memory_space<semaphore_mem>>
        %dma_start3A_555 = arith.constant 0 : i32
        %dma_start3A_556 = tpu.memref_slice %arg5[%select_n3A_528, %dma_start3A_555] : memref<6x128xi32, #tpu.memory_space<vmem>> -> memref<1x128xi32, #tpu.memory_space<vmem>>
        %dma_start3A_557 = tpu.memref_squeeze %dma_start3A_556 : memref<1x128xi32, #tpu.memory_space<vmem>> -> memref<128xi32, #tpu.memory_space<vmem>>
        %dma_start3A_558 = tpu.memref_slice %arg3[%mul3A_548] : memref<100000xi32, #tpu.memory_space<hbm>> -> memref<128xi32, #tpu.memory_space<hbm>>
        tpu.enqueue_dma source(%dma_start3A_558 : memref<128xi32, #tpu.memory_space<hbm>>) target(%dma_start3A_557 : memref<128xi32, #tpu.memory_space<vmem>>) target_semaphore(%dma_start3A_554 : memref<!tpu.dma_semaphore, #tpu.memory_space<semaphore_mem>>)
      } else {
      }
      %add3A_443 = arith.constant 5 : i32
      %add3A_444 = arith.addi %mul3A_151, %add3A_443 : i32
      %dma_wait3A_445 = arith.constant 0 : i32
      %dma_wait3A_446 = arith.constant 5 : i32
      %dma_wait3A_447 = arith.constant 0 : i32
      %dma_wait3A_448 = arith.constant 0 : i32
      %dma_wait3A_449 = tpu.memref_slice %arg6[%dma_wait3A_445, %dma_wait3A_447, %dma_wait3A_448] : memref<6x128x128xf32, #tpu.memory_space<vmem>> -> memref<1x128x128xf32, #tpu.memory_space<vmem>>
      %dma_wait3A_450 = tpu.memref_squeeze %dma_wait3A_449 : memref<1x128x128xf32, #tpu.memory_space<vmem>> -> memref<128x128xf32, #tpu.memory_space<vmem>>
      %dma_wait3A_451 = arith.constant 0 : i32
      %dma_wait3A_452 = arith.constant 0 : i32
      %dma_wait3A_453 = tpu.memref_slice %arg2[%dma_wait3A_451, %dma_wait3A_452] : memref<100000x128xf32, #tpu.memory_space<hbm>> -> memref<128x128xf32, #tpu.memory_space<hbm>>
      %dma_wait3A_454 = tpu.memref_slice %arg9[%dma_wait3A_446] : memref<6x!tpu.dma_semaphore, #tpu.memory_space<semaphore_mem>> -> memref<1x!tpu.dma_semaphore, #tpu.memory_space<semaphore_mem>>
      %dma_wait3A_455 = tpu.memref_squeeze %dma_wait3A_454 : memref<1x!tpu.dma_semaphore, #tpu.memory_space<semaphore_mem>> -> memref<!tpu.dma_semaphore, #tpu.memory_space<semaphore_mem>>
      %dma_wait3A_456 = arith.constant 0 : i32
      %dma_wait3A_457 = arith.constant 0 : i32
      %dma_wait3A_458 = tpu.memref_slice %arg6[%dma_wait3A_445, %dma_wait3A_456, %dma_wait3A_457] : memref<6x128x128xf32, #tpu.memory_space<vmem>> -> memref<1x128x128xf32, #tpu.memory_space<vmem>>
      %dma_wait3A_459 = tpu.memref_squeeze %dma_wait3A_458 : memref<1x128x128xf32, #tpu.memory_space<vmem>> -> memref<128x128xf32, #tpu.memory_space<vmem>>
      %dma_wait3A_460 = arith.constant 0 : i32
      %dma_wait3A_461 = arith.constant 0 : i32
      %dma_wait3A_462 = tpu.memref_slice %arg2[%dma_wait3A_460, %dma_wait3A_461] : memref<100000x128xf32, #tpu.memory_space<hbm>> -> memref<128x128xf32, #tpu.memory_space<hbm>>
      tpu.wait_dma2 semaphore(%dma_wait3A_455 : memref<!tpu.dma_semaphore, #tpu.memory_space<semaphore_mem>>) src(%dma_wait3A_462 : memref<128x128xf32, #tpu.memory_space<hbm>>) dst(%dma_wait3A_459 : memref<128x128xf32, #tpu.memory_space<vmem>>)
      %dma_wait3A_463 = arith.constant 0 : i32
      %dma_wait3A_464 = arith.constant 5 : i32
      %dma_wait3A_465 = arith.constant 0 : i32
      %dma_wait3A_466 = tpu.memref_slice %arg5[%dma_wait3A_463, %dma_wait3A_465] : memref<6x128xi32, #tpu.memory_space<vmem>> -> memref<1x128xi32, #tpu.memory_space<vmem>>
      %dma_wait3A_467 = tpu.memref_squeeze %dma_wait3A_466 : memref<1x128xi32, #tpu.memory_space<vmem>> -> memref<128xi32, #tpu.memory_space<vmem>>
      %dma_wait3A_468 = arith.constant 0 : i32
      %dma_wait3A_469 = tpu.memref_slice %arg3[%dma_wait3A_468] : memref<100000xi32, #tpu.memory_space<hbm>> -> memref<128xi32, #tpu.memory_space<hbm>>
      %dma_wait3A_470 = tpu.memref_slice %arg10[%dma_wait3A_464] : memref<6x!tpu.dma_semaphore, #tpu.memory_space<semaphore_mem>> -> memref<1x!tpu.dma_semaphore, #tpu.memory_space<semaphore_mem>>
      %dma_wait3A_471 = tpu.memref_squeeze %dma_wait3A_470 : memref<1x!tpu.dma_semaphore, #tpu.memory_space<semaphore_mem>> -> memref<!tpu.dma_semaphore, #tpu.memory_space<semaphore_mem>>
      %dma_wait3A_472 = arith.constant 0 : i32
      %dma_wait3A_473 = tpu.memref_slice %arg5[%dma_wait3A_463, %dma_wait3A_472] : memref<6x128xi32, #tpu.memory_space<vmem>> -> memref<1x128xi32, #tpu.memory_space<vmem>>
      %dma_wait3A_474 = tpu.memref_squeeze %dma_wait3A_473 : memref<1x128xi32, #tpu.memory_space<vmem>> -> memref<128xi32, #tpu.memory_space<vmem>>
      %dma_wait3A_475 = arith.constant 0 : i32
      %dma_wait3A_476 = tpu.memref_slice %arg3[%dma_wait3A_475] : memref<100000xi32, #tpu.memory_space<hbm>> -> memref<128xi32, #tpu.memory_space<hbm>>
      tpu.wait_dma2 semaphore(%dma_wait3A_471 : memref<!tpu.dma_semaphore, #tpu.memory_space<semaphore_mem>>) src(%dma_wait3A_476 : memref<128xi32, #tpu.memory_space<hbm>>) dst(%dma_wait3A_474 : memref<128xi32, #tpu.memory_space<vmem>>)
      %dma_start3A_477 = arith.constant 5 : i32
      %dma_start3A_478 = arith.constant 5 : i32
      %dma_start3A_479 = arith.constant 5 : i32
      %dma_start3A_480 = arith.constant 0 : i32
      %dma_start3A_481 = arith.constant 0 : i32
      %dma_start3A_482 = tpu.memref_slice %arg6[%dma_start3A_477, %dma_start3A_480, %dma_start3A_481] : memref<6x128x128xf32, #tpu.memory_space<vmem>> -> memref<1x128x128xf32, #tpu.memory_space<vmem>>
      %dma_start3A_483 = tpu.memref_squeeze %dma_start3A_482 : memref<1x128x128xf32, #tpu.memory_space<vmem>> -> memref<128x128xf32, #tpu.memory_space<vmem>>
      %dma_start3A_484 = arith.constant 0 : i32
      %dma_start3A_485 = tpu.memref_slice %arg5[%dma_start3A_478, %dma_start3A_484] : memref<6x128xi32, #tpu.memory_space<vmem>> -> memref<1x128xi32, #tpu.memory_space<vmem>>
      %dma_start3A_486 = tpu.memref_squeeze %dma_start3A_485 : memref<1x128xi32, #tpu.memory_space<vmem>> -> memref<128xi32, #tpu.memory_space<vmem>>
      %dma_start3A_487 = arith.constant 0 : i32
      %dma_start3A_488 = arith.constant 0 : i32
      %dma_start3A_489 = tpu.memref_slice %arg8[%dma_start3A_487, %dma_start3A_488] : memref<512x128xf32, #tpu.memory_space<vmem_shared>> -> memref<512x128xf32, #tpu.memory_space<vmem_shared>>
      %dma_start3A_490 = tpu.memref_slice %arg11[%dma_start3A_479] : memref<6x!tpu.dma_semaphore, #tpu.memory_space<semaphore_mem>> -> memref<1x!tpu.dma_semaphore, #tpu.memory_space<semaphore_mem>>
      %dma_start3A_491 = tpu.memref_squeeze %dma_start3A_490 : memref<1x!tpu.dma_semaphore, #tpu.memory_space<semaphore_mem>> -> memref<!tpu.dma_semaphore, #tpu.memory_space<semaphore_mem>>
      tpu.enqueue_indirect_dma source(%dma_start3A_483 : memref<128x128xf32, #tpu.memory_space<vmem>>) target(%dma_start3A_489 : memref<512x128xf32, #tpu.memory_space<vmem_shared>>) offsets(%dma_start3A_486 : memref<128xi32, #tpu.memory_space<vmem>>) semaphore(%dma_start3A_491 : memref<!tpu.dma_semaphore, #tpu.memory_space<semaphore_mem>>) {add = true}
      %add3A_492 = arith.constant 3 : i32
      %add3A_493 = arith.addi %add3A_444, %add3A_492 : i32
      %lt3A_494 = arith.cmpi slt, %add3A_493, %select_n3A : i32
      %convert_element_type3A_495 = arith.extui %lt3A_494 : i1 to i32
      %cond3A_496 = arith.constant 0 : i32
      %cond3A_497 = arith.cmpi ne, %convert_element_type3A_495, %cond3A_496 : i32
      scf.if %cond3A_497 {
        %dma_wait3A_498 = arith.constant 0 : i32
        %dma_wait3A_499 = arith.constant 2 : i32
        %dma_wait3A_500 = arith.constant 0 : i32
        %dma_wait3A_501 = arith.constant 0 : i32
        %dma_wait3A_502 = tpu.memref_slice %arg6[%dma_wait3A_498, %dma_wait3A_500, %dma_wait3A_501] : memref<6x128x128xf32, #tpu.memory_space<vmem>> -> memref<1x128x128xf32, #tpu.memory_space<vmem>>
        %dma_wait3A_503 = tpu.memref_squeeze %dma_wait3A_502 : memref<1x128x128xf32, #tpu.memory_space<vmem>> -> memref<128x128xf32, #tpu.memory_space<vmem>>
        %dma_wait3A_504 = arith.constant 0 : i32
        %dma_wait3A_505 = arith.constant 0 : i32
        %dma_wait3A_506 = tpu.memref_slice %arg2[%dma_wait3A_504, %dma_wait3A_505] : memref<100000x128xf32, #tpu.memory_space<hbm>> -> memref<128x128xf32, #tpu.memory_space<hbm>>
        %dma_wait3A_507 = tpu.memref_slice %arg11[%dma_wait3A_499] : memref<6x!tpu.dma_semaphore, #tpu.memory_space<semaphore_mem>> -> memref<1x!tpu.dma_semaphore, #tpu.memory_space<semaphore_mem>>
        %dma_wait3A_508 = tpu.memref_squeeze %dma_wait3A_507 : memref<1x!tpu.dma_semaphore, #tpu.memory_space<semaphore_mem>> -> memref<!tpu.dma_semaphore, #tpu.memory_space<semaphore_mem>>
        %dma_wait3A_509 = arith.constant 0 : i32
        %dma_wait3A_510 = arith.constant 0 : i32
        %dma_wait3A_511 = tpu.memref_slice %arg6[%dma_wait3A_498, %dma_wait3A_509, %dma_wait3A_510] : memref<6x128x128xf32, #tpu.memory_space<vmem>> -> memref<1x128x128xf32, #tpu.memory_space<vmem>>
        %dma_wait3A_512 = tpu.memref_squeeze %dma_wait3A_511 : memref<1x128x128xf32, #tpu.memory_space<vmem>> -> memref<128x128xf32, #tpu.memory_space<vmem>>
        %dma_wait3A_513 = arith.constant 0 : i32
        %dma_wait3A_514 = arith.constant 0 : i32
        %dma_wait3A_515 = tpu.memref_slice %arg2[%dma_wait3A_513, %dma_wait3A_514] : memref<100000x128xf32, #tpu.memory_space<hbm>> -> memref<128x128xf32, #tpu.memory_space<hbm>>
        tpu.wait_dma2 semaphore(%dma_wait3A_508 : memref<!tpu.dma_semaphore, #tpu.memory_space<semaphore_mem>>) src(%dma_wait3A_515 : memref<128x128xf32, #tpu.memory_space<hbm>>) dst(%dma_wait3A_512 : memref<128x128xf32, #tpu.memory_space<vmem>>)
        %jit3A_516 = arith.constant 6 : i32
        %eq3A_517 = arith.constant 0 : i32
        %eq3A_518 = arith.cmpi eq, %jit3A_516, %eq3A_517 : i32
        %jit3A_519 = arith.constant 1 : i32
        %select_n3A_520 = arith.select %eq3A_518, %jit3A_519, %jit3A_516 : i32
        %rem3A = arith.remsi %add3A_493, %select_n3A_520 : i32
        %ne3A = arith.constant 0 : i32
        %ne3A_521 = arith.cmpi ne, %rem3A, %ne3A : i32
        %lt3A_522 = arith.constant 0 : i32
        %lt3A_523 = arith.cmpi slt, %rem3A, %lt3A_522 : i32
        %lt3A_524 = arith.constant 0 : i32
        %lt3A_525 = arith.cmpi slt, %select_n3A_520, %lt3A_524 : i32
        %ne3A_526 = arith.xori %lt3A_523, %lt3A_525 : i1
        %and3A = arith.andi %ne3A_526, %ne3A_521 : i1
        %add3A_527 = arith.addi %rem3A, %select_n3A_520 : i32
        %select_n3A_528 = arith.select %and3A, %add3A_527, %rem3A : i32
        %add3A_529 = arith.addi %add3A_4, %add3A_493 : i32
        %mul3A_530 = arith.constant 128 : i32
        %mul3A_531 = arith.muli %add3A_529, %mul3A_530 : i32
        %dma_start3A_532 = arith.constant 0 : i32
        %dma_start3A_533 = arith.constant 0 : i32
        %dma_start3A_534 = tpu.memref_slice %arg6[%select_n3A_528, %dma_start3A_532, %dma_start3A_533] : memref<6x128x128xf32, #tpu.memory_space<vmem>> -> memref<1x128x128xf32, #tpu.memory_space<vmem>>
        %dma_start3A_535 = tpu.memref_squeeze %dma_start3A_534 : memref<1x128x128xf32, #tpu.memory_space<vmem>> -> memref<128x128xf32, #tpu.memory_space<vmem>>
        %dma_start3A_536 = arith.constant 0 : i32
        %dma_start3A_537 = tpu.memref_slice %arg2[%mul3A_531, %dma_start3A_536] : memref<100000x128xf32, #tpu.memory_space<hbm>> -> memref<128x128xf32, #tpu.memory_space<hbm>>
        %dma_start3A_538 = tpu.memref_slice %arg9[%select_n3A_528] : memref<6x!tpu.dma_semaphore, #tpu.memory_space<semaphore_mem>> -> memref<1x!tpu.dma_semaphore, #tpu.memory_space<semaphore_mem>>
        %dma_start3A_539 = tpu.memref_squeeze %dma_start3A_538 : memref<1x!tpu.dma_semaphore, #tpu.memory_space<semaphore_mem>> -> memref<!tpu.dma_semaphore, #tpu.memory_space<semaphore_mem>>
        %dma_start3A_540 = arith.constant 0 : i32
        %dma_start3A_541 = arith.constant 0 : i32
        %dma_start3A_542 = tpu.memref_slice %arg6[%select_n3A_528, %dma_start3A_540, %dma_start3A_541] : memref<6x128x128xf32, #tpu.memory_space<vmem>> -> memref<1x128x128xf32, #tpu.memory_space<vmem>>
        %dma_start3A_543 = tpu.memref_squeeze %dma_start3A_542 : memref<1x128x128xf32, #tpu.memory_space<vmem>> -> memref<128x128xf32, #tpu.memory_space<vmem>>
        %dma_start3A_544 = arith.constant 0 : i32
        %dma_start3A_545 = tpu.memref_slice %arg2[%mul3A_531, %dma_start3A_544] : memref<100000x128xf32, #tpu.memory_space<hbm>> -> memref<128x128xf32, #tpu.memory_space<hbm>>
        tpu.enqueue_dma source(%dma_start3A_545 : memref<128x128xf32, #tpu.memory_space<hbm>>) target(%dma_start3A_543 : memref<128x128xf32, #tpu.memory_space<vmem>>) target_semaphore(%dma_start3A_539 : memref<!tpu.dma_semaphore, #tpu.memory_space<semaphore_mem>>)
        %add3A_546 = arith.addi %add3A_4, %add3A_493 : i32
        %mul3A_547 = arith.constant 128 : i32
        %mul3A_548 = arith.muli %add3A_546, %mul3A_547 : i32
        %dma_start3A_549 = arith.constant 0 : i32
        %dma_start3A_550 = tpu.memref_slice %arg5[%select_n3A_528, %dma_start3A_549] : memref<6x128xi32, #tpu.memory_space<vmem>> -> memref<1x128xi32, #tpu.memory_space<vmem>>
        %dma_start3A_551 = tpu.memref_squeeze %dma_start3A_550 : memref<1x128xi32, #tpu.memory_space<vmem>> -> memref<128xi32, #tpu.memory_space<vmem>>
        %dma_start3A_552 = tpu.memref_slice %arg3[%mul3A_548] : memref<100000xi32, #tpu.memory_space<hbm>> -> memref<128xi32, #tpu.memory_space<hbm>>
        %dma_start3A_553 = tpu.memref_slice %arg10[%select_n3A_528] : memref<6x!tpu.dma_semaphore, #tpu.memory_space<semaphore_mem>> -> memref<1x!tpu.dma_semaphore, #tpu.memory_space<semaphore_mem>>
        %dma_start3A_554 = tpu.memref_squeeze %dma_start3A_553 : memref<1x!tpu.dma_semaphore, #tpu.memory_space<semaphore_mem>> -> memref<!tpu.dma_semaphore, #tpu.memory_space<semaphore_mem>>
        %dma_start3A_555 = arith.constant 0 : i32
        %dma_start3A_556 = tpu.memref_slice %arg5[%select_n3A_528, %dma_start3A_555] : memref<6x128xi32, #tpu.memory_space<vmem>> -> memref<1x128xi32, #tpu.memory_space<vmem>>
        %dma_start3A_557 = tpu.memref_squeeze %dma_start3A_556 : memref<1x128xi32, #tpu.memory_space<vmem>> -> memref<128xi32, #tpu.memory_space<vmem>>
        %dma_start3A_558 = tpu.memref_slice %arg3[%mul3A_548] : memref<100000xi32, #tpu.memory_space<hbm>> -> memref<128xi32, #tpu.memory_space<hbm>>
        tpu.enqueue_dma source(%dma_start3A_558 : memref<128xi32, #tpu.memory_space<hbm>>) target(%dma_start3A_557 : memref<128xi32, #tpu.memory_space<vmem>>) target_semaphore(%dma_start3A_554 : memref<!tpu.dma_semaphore, #tpu.memory_space<semaphore_mem>>)
      } else {
      }
    }
    %scan3A_29 = arith.constant 4 : i32
    %gt3A_30 = arith.constant 24 : i32
    %gt3A_31 = arith.cmpi sgt, %select_n3A, %gt3A_30 : i32
    %convert_element_type3A_32 = arith.extui %gt3A_31 : i1 to i32
    %cond3A_33 = arith.constant 0 : i32
    %cond3A_34 = arith.cmpi ne, %convert_element_type3A_32, %cond3A_33 : i32
    scf.if %cond3A_34 {
      %dma_wait3A_145 = arith.constant 0 : i32
      %dma_wait3A_146 = arith.constant 0 : i32
      %dma_wait3A_147 = arith.constant 0 : i32
      %dma_wait3A_148 = arith.constant 0 : i32
      %dma_wait3A_149 = tpu.memref_slice %arg6[%dma_wait3A_145, %dma_wait3A_147, %dma_wait3A_148] : memref<6x128x128xf32, #tpu.memory_space<vmem>> -> memref<1x128x128xf32, #tpu.memory_space<vmem>>
      %dma_wait3A_150 = tpu.memref_squeeze %dma_wait3A_149 : memref<1x128x128xf32, #tpu.memory_space<vmem>> -> memref<128x128xf32, #tpu.memory_space<vmem>>
      %dma_wait3A_151 = arith.constant 0 : i32
      %dma_wait3A_152 = arith.constant 0 : i32
      %dma_wait3A_153 = tpu.memref_slice %arg2[%dma_wait3A_151, %dma_wait3A_152] : memref<100000x128xf32, #tpu.memory_space<hbm>> -> memref<128x128xf32, #tpu.memory_space<hbm>>
      %dma_wait3A_154 = tpu.memref_slice %arg9[%dma_wait3A_146] : memref<6x!tpu.dma_semaphore, #tpu.memory_space<semaphore_mem>> -> memref<1x!tpu.dma_semaphore, #tpu.memory_space<semaphore_mem>>
      %dma_wait3A_155 = tpu.memref_squeeze %dma_wait3A_154 : memref<1x!tpu.dma_semaphore, #tpu.memory_space<semaphore_mem>> -> memref<!tpu.dma_semaphore, #tpu.memory_space<semaphore_mem>>
      %dma_wait3A_156 = arith.constant 0 : i32
      %dma_wait3A_157 = arith.constant 0 : i32
      %dma_wait3A_158 = tpu.memref_slice %arg6[%dma_wait3A_145, %dma_wait3A_156, %dma_wait3A_157] : memref<6x128x128xf32, #tpu.memory_space<vmem>> -> memref<1x128x128xf32, #tpu.memory_space<vmem>>
      %dma_wait3A_159 = tpu.memref_squeeze %dma_wait3A_158 : memref<1x128x128xf32, #tpu.memory_space<vmem>> -> memref<128x128xf32, #tpu.memory_space<vmem>>
      %dma_wait3A_160 = arith.constant 0 : i32
      %dma_wait3A_161 = arith.constant 0 : i32
      %dma_wait3A_162 = tpu.memref_slice %arg2[%dma_wait3A_160, %dma_wait3A_161] : memref<100000x128xf32, #tpu.memory_space<hbm>> -> memref<128x128xf32, #tpu.memory_space<hbm>>
      tpu.wait_dma2 semaphore(%dma_wait3A_155 : memref<!tpu.dma_semaphore, #tpu.memory_space<semaphore_mem>>) src(%dma_wait3A_162 : memref<128x128xf32, #tpu.memory_space<hbm>>) dst(%dma_wait3A_159 : memref<128x128xf32, #tpu.memory_space<vmem>>)
      %dma_wait3A_163 = arith.constant 0 : i32
      %dma_wait3A_164 = arith.constant 0 : i32
      %dma_wait3A_165 = arith.constant 0 : i32
      %dma_wait3A_166 = tpu.memref_slice %arg5[%dma_wait3A_163, %dma_wait3A_165] : memref<6x128xi32, #tpu.memory_space<vmem>> -> memref<1x128xi32, #tpu.memory_space<vmem>>
      %dma_wait3A_167 = tpu.memref_squeeze %dma_wait3A_166 : memref<1x128xi32, #tpu.memory_space<vmem>> -> memref<128xi32, #tpu.memory_space<vmem>>
      %dma_wait3A_168 = arith.constant 0 : i32
      %dma_wait3A_169 = tpu.memref_slice %arg3[%dma_wait3A_168] : memref<100000xi32, #tpu.memory_space<hbm>> -> memref<128xi32, #tpu.memory_space<hbm>>
      %dma_wait3A_170 = tpu.memref_slice %arg10[%dma_wait3A_164] : memref<6x!tpu.dma_semaphore, #tpu.memory_space<semaphore_mem>> -> memref<1x!tpu.dma_semaphore, #tpu.memory_space<semaphore_mem>>
      %dma_wait3A_171 = tpu.memref_squeeze %dma_wait3A_170 : memref<1x!tpu.dma_semaphore, #tpu.memory_space<semaphore_mem>> -> memref<!tpu.dma_semaphore, #tpu.memory_space<semaphore_mem>>
      %dma_wait3A_172 = arith.constant 0 : i32
      %dma_wait3A_173 = tpu.memref_slice %arg5[%dma_wait3A_163, %dma_wait3A_172] : memref<6x128xi32, #tpu.memory_space<vmem>> -> memref<1x128xi32, #tpu.memory_space<vmem>>
      %dma_wait3A_174 = tpu.memref_squeeze %dma_wait3A_173 : memref<1x128xi32, #tpu.memory_space<vmem>> -> memref<128xi32, #tpu.memory_space<vmem>>
      %dma_wait3A_175 = arith.constant 0 : i32
      %dma_wait3A_176 = tpu.memref_slice %arg3[%dma_wait3A_175] : memref<100000xi32, #tpu.memory_space<hbm>> -> memref<128xi32, #tpu.memory_space<hbm>>
      tpu.wait_dma2 semaphore(%dma_wait3A_171 : memref<!tpu.dma_semaphore, #tpu.memory_space<semaphore_mem>>) src(%dma_wait3A_176 : memref<128xi32, #tpu.memory_space<hbm>>) dst(%dma_wait3A_174 : memref<128xi32, #tpu.memory_space<vmem>>)
      %dma_start3A = arith.constant 0 : i32
      %dma_start3A_177 = arith.constant 0 : i32
      %dma_start3A_178 = arith.constant 0 : i32
      %dma_start3A_179 = arith.constant 0 : i32
      %dma_start3A_180 = arith.constant 0 : i32
      %dma_start3A_181 = tpu.memref_slice %arg6[%dma_start3A, %dma_start3A_179, %dma_start3A_180] : memref<6x128x128xf32, #tpu.memory_space<vmem>> -> memref<1x128x128xf32, #tpu.memory_space<vmem>>
      %dma_start3A_182 = tpu.memref_squeeze %dma_start3A_181 : memref<1x128x128xf32, #tpu.memory_space<vmem>> -> memref<128x128xf32, #tpu.memory_space<vmem>>
      %dma_start3A_183 = arith.constant 0 : i32
      %dma_start3A_184 = tpu.memref_slice %arg5[%dma_start3A_177, %dma_start3A_183] : memref<6x128xi32, #tpu.memory_space<vmem>> -> memref<1x128xi32, #tpu.memory_space<vmem>>
      %dma_start3A_185 = tpu.memref_squeeze %dma_start3A_184 : memref<1x128xi32, #tpu.memory_space<vmem>> -> memref<128xi32, #tpu.memory_space<vmem>>
      %dma_start3A_186 = arith.constant 0 : i32
      %dma_start3A_187 = arith.constant 0 : i32
      %dma_start3A_188 = tpu.memref_slice %arg8[%dma_start3A_186, %dma_start3A_187] : memref<512x128xf32, #tpu.memory_space<vmem_shared>> -> memref<512x128xf32, #tpu.memory_space<vmem_shared>>
      %dma_start3A_189 = tpu.memref_slice %arg11[%dma_start3A_178] : memref<6x!tpu.dma_semaphore, #tpu.memory_space<semaphore_mem>> -> memref<1x!tpu.dma_semaphore, #tpu.memory_space<semaphore_mem>>
      %dma_start3A_190 = tpu.memref_squeeze %dma_start3A_189 : memref<1x!tpu.dma_semaphore, #tpu.memory_space<semaphore_mem>> -> memref<!tpu.dma_semaphore, #tpu.memory_space<semaphore_mem>>
      tpu.enqueue_indirect_dma source(%dma_start3A_182 : memref<128x128xf32, #tpu.memory_space<vmem>>) target(%dma_start3A_188 : memref<512x128xf32, #tpu.memory_space<vmem_shared>>) offsets(%dma_start3A_185 : memref<128xi32, #tpu.memory_space<vmem>>) semaphore(%dma_start3A_190 : memref<!tpu.dma_semaphore, #tpu.memory_space<semaphore_mem>>) {add = true}
    } else {
    }
    %dma_wait3A = arith.constant 0 : i32
    %dma_wait3A_35 = arith.constant 0 : i32
    %dma_wait3A_36 = arith.constant 0 : i32
    %dma_wait3A_37 = arith.constant 0 : i32
    %dma_wait3A_38 = tpu.memref_slice %arg6[%dma_wait3A, %dma_wait3A_36, %dma_wait3A_37] : memref<6x128x128xf32, #tpu.memory_space<vmem>> -> memref<1x128x128xf32, #tpu.memory_space<vmem>>
    %dma_wait3A_39 = tpu.memref_squeeze %dma_wait3A_38 : memref<1x128x128xf32, #tpu.memory_space<vmem>> -> memref<128x128xf32, #tpu.memory_space<vmem>>
    %dma_wait3A_40 = arith.constant 0 : i32
    %dma_wait3A_41 = arith.constant 0 : i32
    %dma_wait3A_42 = tpu.memref_slice %arg2[%dma_wait3A_40, %dma_wait3A_41] : memref<100000x128xf32, #tpu.memory_space<hbm>> -> memref<128x128xf32, #tpu.memory_space<hbm>>
    %dma_wait3A_43 = tpu.memref_slice %arg11[%dma_wait3A_35] : memref<6x!tpu.dma_semaphore, #tpu.memory_space<semaphore_mem>> -> memref<1x!tpu.dma_semaphore, #tpu.memory_space<semaphore_mem>>
    %dma_wait3A_44 = tpu.memref_squeeze %dma_wait3A_43 : memref<1x!tpu.dma_semaphore, #tpu.memory_space<semaphore_mem>> -> memref<!tpu.dma_semaphore, #tpu.memory_space<semaphore_mem>>
    %dma_wait3A_45 = arith.constant 0 : i32
    %dma_wait3A_46 = arith.constant 0 : i32
    %dma_wait3A_47 = tpu.memref_slice %arg6[%dma_wait3A, %dma_wait3A_45, %dma_wait3A_46] : memref<6x128x128xf32, #tpu.memory_space<vmem>> -> memref<1x128x128xf32, #tpu.memory_space<vmem>>
    %dma_wait3A_48 = tpu.memref_squeeze %dma_wait3A_47 : memref<1x128x128xf32, #tpu.memory_space<vmem>> -> memref<128x128xf32, #tpu.memory_space<vmem>>
    %dma_wait3A_49 = arith.constant 0 : i32
    %dma_wait3A_50 = arith.constant 0 : i32
    %dma_wait3A_51 = tpu.memref_slice %arg2[%dma_wait3A_49, %dma_wait3A_50] : memref<100000x128xf32, #tpu.memory_space<hbm>> -> memref<128x128xf32, #tpu.memory_space<hbm>>
    tpu.wait_dma2 semaphore(%dma_wait3A_44 : memref<!tpu.dma_semaphore, #tpu.memory_space<semaphore_mem>>) src(%dma_wait3A_51 : memref<128x128xf32, #tpu.memory_space<hbm>>) dst(%dma_wait3A_48 : memref<128x128xf32, #tpu.memory_space<vmem>>)
    %dma_wait3A_52 = arith.constant 0 : i32
    %dma_wait3A_53 = arith.constant 1 : i32
    %dma_wait3A_54 = arith.constant 0 : i32
    %dma_wait3A_55 = arith.constant 0 : i32
    %dma_wait3A_56 = tpu.memref_slice %arg6[%dma_wait3A_52, %dma_wait3A_54, %dma_wait3A_55] : memref<6x128x128xf32, #tpu.memory_space<vmem>> -> memref<1x128x128xf32, #tpu.memory_space<vmem>>
    %dma_wait3A_57 = tpu.memref_squeeze %dma_wait3A_56 : memref<1x128x128xf32, #tpu.memory_space<vmem>> -> memref<128x128xf32, #tpu.memory_space<vmem>>
    %dma_wait3A_58 = arith.constant 0 : i32
    %dma_wait3A_59 = arith.constant 0 : i32
    %dma_wait3A_60 = tpu.memref_slice %arg2[%dma_wait3A_58, %dma_wait3A_59] : memref<100000x128xf32, #tpu.memory_space<hbm>> -> memref<128x128xf32, #tpu.memory_space<hbm>>
    %dma_wait3A_61 = tpu.memref_slice %arg11[%dma_wait3A_53] : memref<6x!tpu.dma_semaphore, #tpu.memory_space<semaphore_mem>> -> memref<1x!tpu.dma_semaphore, #tpu.memory_space<semaphore_mem>>
    %dma_wait3A_62 = tpu.memref_squeeze %dma_wait3A_61 : memref<1x!tpu.dma_semaphore, #tpu.memory_space<semaphore_mem>> -> memref<!tpu.dma_semaphore, #tpu.memory_space<semaphore_mem>>
    %dma_wait3A_63 = arith.constant 0 : i32
    %dma_wait3A_64 = arith.constant 0 : i32
    %dma_wait3A_65 = tpu.memref_slice %arg6[%dma_wait3A_52, %dma_wait3A_63, %dma_wait3A_64] : memref<6x128x128xf32, #tpu.memory_space<vmem>> -> memref<1x128x128xf32, #tpu.memory_space<vmem>>
    %dma_wait3A_66 = tpu.memref_squeeze %dma_wait3A_65 : memref<1x128x128xf32, #tpu.memory_space<vmem>> -> memref<128x128xf32, #tpu.memory_space<vmem>>
    %dma_wait3A_67 = arith.constant 0 : i32
    %dma_wait3A_68 = arith.constant 0 : i32
    %dma_wait3A_69 = tpu.memref_slice %arg2[%dma_wait3A_67, %dma_wait3A_68] : memref<100000x128xf32, #tpu.memory_space<hbm>> -> memref<128x128xf32, #tpu.memory_space<hbm>>
    tpu.wait_dma2 semaphore(%dma_wait3A_62 : memref<!tpu.dma_semaphore, #tpu.memory_space<semaphore_mem>>) src(%dma_wait3A_69 : memref<128x128xf32, #tpu.memory_space<hbm>>) dst(%dma_wait3A_66 : memref<128x128xf32, #tpu.memory_space<vmem>>)
    %dma_wait3A_70 = arith.constant 0 : i32
    %dma_wait3A_71 = arith.constant 2 : i32
    %dma_wait3A_72 = arith.constant 0 : i32
    %dma_wait3A_73 = arith.constant 0 : i32
    %dma_wait3A_74 = tpu.memref_slice %arg6[%dma_wait3A_70, %dma_wait3A_72, %dma_wait3A_73] : memref<6x128x128xf32, #tpu.memory_space<vmem>> -> memref<1x128x128xf32, #tpu.memory_space<vmem>>
    %dma_wait3A_75 = tpu.memref_squeeze %dma_wait3A_74 : memref<1x128x128xf32, #tpu.memory_space<vmem>> -> memref<128x128xf32, #tpu.memory_space<vmem>>
    %dma_wait3A_76 = arith.constant 0 : i32
    %dma_wait3A_77 = arith.constant 0 : i32
    %dma_wait3A_78 = tpu.memref_slice %arg2[%dma_wait3A_76, %dma_wait3A_77] : memref<100000x128xf32, #tpu.memory_space<hbm>> -> memref<128x128xf32, #tpu.memory_space<hbm>>
    %dma_wait3A_79 = tpu.memref_slice %arg11[%dma_wait3A_71] : memref<6x!tpu.dma_semaphore, #tpu.memory_space<semaphore_mem>> -> memref<1x!tpu.dma_semaphore, #tpu.memory_space<semaphore_mem>>
    %dma_wait3A_80 = tpu.memref_squeeze %dma_wait3A_79 : memref<1x!tpu.dma_semaphore, #tpu.memory_space<semaphore_mem>> -> memref<!tpu.dma_semaphore, #tpu.memory_space<semaphore_mem>>
    %dma_wait3A_81 = arith.constant 0 : i32
    %dma_wait3A_82 = arith.constant 0 : i32
    %dma_wait3A_83 = tpu.memref_slice %arg6[%dma_wait3A_70, %dma_wait3A_81, %dma_wait3A_82] : memref<6x128x128xf32, #tpu.memory_space<vmem>> -> memref<1x128x128xf32, #tpu.memory_space<vmem>>
    %dma_wait3A_84 = tpu.memref_squeeze %dma_wait3A_83 : memref<1x128x128xf32, #tpu.memory_space<vmem>> -> memref<128x128xf32, #tpu.memory_space<vmem>>
    %dma_wait3A_85 = arith.constant 0 : i32
    %dma_wait3A_86 = arith.constant 0 : i32
    %dma_wait3A_87 = tpu.memref_slice %arg2[%dma_wait3A_85, %dma_wait3A_86] : memref<100000x128xf32, #tpu.memory_space<hbm>> -> memref<128x128xf32, #tpu.memory_space<hbm>>
    tpu.wait_dma2 semaphore(%dma_wait3A_80 : memref<!tpu.dma_semaphore, #tpu.memory_space<semaphore_mem>>) src(%dma_wait3A_87 : memref<128x128xf32, #tpu.memory_space<hbm>>) dst(%dma_wait3A_84 : memref<128x128xf32, #tpu.memory_space<vmem>>)
    %dma_wait3A_88 = arith.constant 0 : i32
    %dma_wait3A_89 = arith.constant 3 : i32
    %dma_wait3A_90 = arith.constant 0 : i32
    %dma_wait3A_91 = arith.constant 0 : i32
    %dma_wait3A_92 = tpu.memref_slice %arg6[%dma_wait3A_88, %dma_wait3A_90, %dma_wait3A_91] : memref<6x128x128xf32, #tpu.memory_space<vmem>> -> memref<1x128x128xf32, #tpu.memory_space<vmem>>
    %dma_wait3A_93 = tpu.memref_squeeze %dma_wait3A_92 : memref<1x128x128xf32, #tpu.memory_space<vmem>> -> memref<128x128xf32, #tpu.memory_space<vmem>>
    %dma_wait3A_94 = arith.constant 0 : i32
    %dma_wait3A_95 = arith.constant 0 : i32
    %dma_wait3A_96 = tpu.memref_slice %arg2[%dma_wait3A_94, %dma_wait3A_95] : memref<100000x128xf32, #tpu.memory_space<hbm>> -> memref<128x128xf32, #tpu.memory_space<hbm>>
    %dma_wait3A_97 = tpu.memref_slice %arg11[%dma_wait3A_89] : memref<6x!tpu.dma_semaphore, #tpu.memory_space<semaphore_mem>> -> memref<1x!tpu.dma_semaphore, #tpu.memory_space<semaphore_mem>>
    %dma_wait3A_98 = tpu.memref_squeeze %dma_wait3A_97 : memref<1x!tpu.dma_semaphore, #tpu.memory_space<semaphore_mem>> -> memref<!tpu.dma_semaphore, #tpu.memory_space<semaphore_mem>>
    %dma_wait3A_99 = arith.constant 0 : i32
    %dma_wait3A_100 = arith.constant 0 : i32
    %dma_wait3A_101 = tpu.memref_slice %arg6[%dma_wait3A_88, %dma_wait3A_99, %dma_wait3A_100] : memref<6x128x128xf32, #tpu.memory_space<vmem>> -> memref<1x128x128xf32, #tpu.memory_space<vmem>>
    %dma_wait3A_102 = tpu.memref_squeeze %dma_wait3A_101 : memref<1x128x128xf32, #tpu.memory_space<vmem>> -> memref<128x128xf32, #tpu.memory_space<vmem>>
    %dma_wait3A_103 = arith.constant 0 : i32
    %dma_wait3A_104 = arith.constant 0 : i32
    %dma_wait3A_105 = tpu.memref_slice %arg2[%dma_wait3A_103, %dma_wait3A_104] : memref<100000x128xf32, #tpu.memory_space<hbm>> -> memref<128x128xf32, #tpu.memory_space<hbm>>
    tpu.wait_dma2 semaphore(%dma_wait3A_98 : memref<!tpu.dma_semaphore, #tpu.memory_space<semaphore_mem>>) src(%dma_wait3A_105 : memref<128x128xf32, #tpu.memory_space<hbm>>) dst(%dma_wait3A_102 : memref<128x128xf32, #tpu.memory_space<vmem>>)
    %dma_wait3A_106 = arith.constant 0 : i32
    %dma_wait3A_107 = arith.constant 4 : i32
    %dma_wait3A_108 = arith.constant 0 : i32
    %dma_wait3A_109 = arith.constant 0 : i32
    %dma_wait3A_110 = tpu.memref_slice %arg6[%dma_wait3A_106, %dma_wait3A_108, %dma_wait3A_109] : memref<6x128x128xf32, #tpu.memory_space<vmem>> -> memref<1x128x128xf32, #tpu.memory_space<vmem>>
    %dma_wait3A_111 = tpu.memref_squeeze %dma_wait3A_110 : memref<1x128x128xf32, #tpu.memory_space<vmem>> -> memref<128x128xf32, #tpu.memory_space<vmem>>
    %dma_wait3A_112 = arith.constant 0 : i32
    %dma_wait3A_113 = arith.constant 0 : i32
    %dma_wait3A_114 = tpu.memref_slice %arg2[%dma_wait3A_112, %dma_wait3A_113] : memref<100000x128xf32, #tpu.memory_space<hbm>> -> memref<128x128xf32, #tpu.memory_space<hbm>>
    %dma_wait3A_115 = tpu.memref_slice %arg11[%dma_wait3A_107] : memref<6x!tpu.dma_semaphore, #tpu.memory_space<semaphore_mem>> -> memref<1x!tpu.dma_semaphore, #tpu.memory_space<semaphore_mem>>
    %dma_wait3A_116 = tpu.memref_squeeze %dma_wait3A_115 : memref<1x!tpu.dma_semaphore, #tpu.memory_space<semaphore_mem>> -> memref<!tpu.dma_semaphore, #tpu.memory_space<semaphore_mem>>
    %dma_wait3A_117 = arith.constant 0 : i32
    %dma_wait3A_118 = arith.constant 0 : i32
    %dma_wait3A_119 = tpu.memref_slice %arg6[%dma_wait3A_106, %dma_wait3A_117, %dma_wait3A_118] : memref<6x128x128xf32, #tpu.memory_space<vmem>> -> memref<1x128x128xf32, #tpu.memory_space<vmem>>
    %dma_wait3A_120 = tpu.memref_squeeze %dma_wait3A_119 : memref<1x128x128xf32, #tpu.memory_space<vmem>> -> memref<128x128xf32, #tpu.memory_space<vmem>>
    %dma_wait3A_121 = arith.constant 0 : i32
    %dma_wait3A_122 = arith.constant 0 : i32
    %dma_wait3A_123 = tpu.memref_slice %arg2[%dma_wait3A_121, %dma_wait3A_122] : memref<100000x128xf32, #tpu.memory_space<hbm>> -> memref<128x128xf32, #tpu.memory_space<hbm>>
    tpu.wait_dma2 semaphore(%dma_wait3A_116 : memref<!tpu.dma_semaphore, #tpu.memory_space<semaphore_mem>>) src(%dma_wait3A_123 : memref<128x128xf32, #tpu.memory_space<hbm>>) dst(%dma_wait3A_120 : memref<128x128xf32, #tpu.memory_space<vmem>>)
    %dma_wait3A_124 = arith.constant 0 : i32
    %dma_wait3A_125 = arith.constant 5 : i32
    %dma_wait3A_126 = arith.constant 0 : i32
    %dma_wait3A_127 = arith.constant 0 : i32
    %dma_wait3A_128 = tpu.memref_slice %arg6[%dma_wait3A_124, %dma_wait3A_126, %dma_wait3A_127] : memref<6x128x128xf32, #tpu.memory_space<vmem>> -> memref<1x128x128xf32, #tpu.memory_space<vmem>>
    %dma_wait3A_129 = tpu.memref_squeeze %dma_wait3A_128 : memref<1x128x128xf32, #tpu.memory_space<vmem>> -> memref<128x128xf32, #tpu.memory_space<vmem>>
    %dma_wait3A_130 = arith.constant 0 : i32
    %dma_wait3A_131 = arith.constant 0 : i32
    %dma_wait3A_132 = tpu.memref_slice %arg2[%dma_wait3A_130, %dma_wait3A_131] : memref<100000x128xf32, #tpu.memory_space<hbm>> -> memref<128x128xf32, #tpu.memory_space<hbm>>
    %dma_wait3A_133 = tpu.memref_slice %arg11[%dma_wait3A_125] : memref<6x!tpu.dma_semaphore, #tpu.memory_space<semaphore_mem>> -> memref<1x!tpu.dma_semaphore, #tpu.memory_space<semaphore_mem>>
    %dma_wait3A_134 = tpu.memref_squeeze %dma_wait3A_133 : memref<1x!tpu.dma_semaphore, #tpu.memory_space<semaphore_mem>> -> memref<!tpu.dma_semaphore, #tpu.memory_space<semaphore_mem>>
    %dma_wait3A_135 = arith.constant 0 : i32
    %dma_wait3A_136 = arith.constant 0 : i32
    %dma_wait3A_137 = tpu.memref_slice %arg6[%dma_wait3A_124, %dma_wait3A_135, %dma_wait3A_136] : memref<6x128x128xf32, #tpu.memory_space<vmem>> -> memref<1x128x128xf32, #tpu.memory_space<vmem>>
    %dma_wait3A_138 = tpu.memref_squeeze %dma_wait3A_137 : memref<1x128x128xf32, #tpu.memory_space<vmem>> -> memref<128x128xf32, #tpu.memory_space<vmem>>
    %dma_wait3A_139 = arith.constant 0 : i32
    %dma_wait3A_140 = arith.constant 0 : i32
    %dma_wait3A_141 = tpu.memref_slice %arg2[%dma_wait3A_139, %dma_wait3A_140] : memref<100000x128xf32, #tpu.memory_space<hbm>> -> memref<128x128xf32, #tpu.memory_space<hbm>>
    tpu.wait_dma2 semaphore(%dma_wait3A_134 : memref<!tpu.dma_semaphore, #tpu.memory_space<semaphore_mem>>) src(%dma_wait3A_141 : memref<128x128xf32, #tpu.memory_space<hbm>>) dst(%dma_wait3A_138 : memref<128x128xf32, #tpu.memory_space<vmem>>)
    %barrier3A_142 = arith.constant 0 : index
    tpu.barrier barrier_id(%barrier3A_142)
    %mul3A_143 = arith.constant 32 : i32
    %mul3A_144 = arith.muli %arg1, %mul3A_143 : i32
    "tpu.region"() ({
      %run_scoped3A = tpu.sem_alloc : memref<!tpu.dma_semaphore, #tpu.memory_space<semaphore_mem>>
      %dma_start3A = arith.constant 0 : i32
      %dma_start3A_145 = tpu.memref_slice %arg4[%arg0, %mul3A_144, %dma_start3A] : memref<2x512x128xf32, #tpu.memory_space<hbm>> -> memref<1x32x128xf32, #tpu.memory_space<hbm>>
      %dma_start3A_146 = tpu.memref_squeeze %dma_start3A_145 : memref<1x32x128xf32, #tpu.memory_space<hbm>> -> memref<32x128xf32, #tpu.memory_space<hbm>>
      %dma_start3A_147 = arith.constant 0 : i32
      %dma_start3A_148 = tpu.memref_slice %arg8[%mul3A_144, %dma_start3A_147] : memref<512x128xf32, #tpu.memory_space<vmem_shared>> -> memref<32x128xf32, #tpu.memory_space<vmem_shared>>
      tpu.enqueue_dma source(%dma_start3A_148 : memref<32x128xf32, #tpu.memory_space<vmem_shared>>) target(%dma_start3A_146 : memref<32x128xf32, #tpu.memory_space<hbm>>) target_semaphore(%run_scoped3A : memref<!tpu.dma_semaphore, #tpu.memory_space<semaphore_mem>>)
      %dma_wait3A_149 = arith.constant 0 : i32
      %dma_wait3A_150 = tpu.memref_slice %arg4[%arg0, %mul3A_144, %dma_wait3A_149] : memref<2x512x128xf32, #tpu.memory_space<hbm>> -> memref<1x32x128xf32, #tpu.memory_space<hbm>>
      %dma_wait3A_151 = tpu.memref_squeeze %dma_wait3A_150 : memref<1x32x128xf32, #tpu.memory_space<hbm>> -> memref<32x128xf32, #tpu.memory_space<hbm>>
      %dma_wait3A_152 = arith.constant 0 : i32
      %dma_wait3A_153 = tpu.memref_slice %arg8[%mul3A_144, %dma_wait3A_152] : memref<512x128xf32, #tpu.memory_space<vmem_shared>> -> memref<32x128xf32, #tpu.memory_space<vmem_shared>>
      tpu.wait_dma2 semaphore(%run_scoped3A : memref<!tpu.dma_semaphore, #tpu.memory_space<semaphore_mem>>) src(%dma_wait3A_153 : memref<32x128xf32, #tpu.memory_space<vmem_shared>>) dst(%dma_wait3A_151 : memref<32x128xf32, #tpu.memory_space<hbm>>)
      tpu.yield
    }) : () -> ()
    return
  }
}

module attributes {stable_mosaic.version = 14 : i64} {
  func.func @body(%arg0: memref<2x512x128xf32, #tpu.memory_space<vmem>>, %arg1: memref<32x128xf32, #tpu.memory_space<vmem>>, %arg2: memref<1x32xi32, #tpu.memory_space<vmem>>, %arg3: memref<128x128xf32, #tpu.memory_space<vmem>>, %arg4: memref<1x128xf32, #tpu.memory_space<vmem>>, %arg5: memref<512x128xf32, #tpu.memory_space<vmem>>) attributes {dimension_semantics = [], scalar_prefetch = 0 : i64, scratch_operands = 0 : i64, tpu.core_type = #tpu.core_type<tc>} {
    %get3A = arith.constant 0 : index
    %get3A_0 = arith.constant 0 : index
    %get3A_1 = vector.load %arg2[%get3A, %get3A_0] : memref<1x32xi32, #tpu.memory_space<vmem>>, vector<1x32xi32>
    %iota3A = tpu.iota {dimensions = array<i32: 0>} : vector<512x32xi32>
    %eq3A = vector.broadcast %get3A_1 : vector<1x32xi32> to vector<512x32xi32>
    %eq3A_2 = arith.cmpi eq, %iota3A, %eq3A : vector<512x32xi32>
    %convert_element_type3A = arith.extui %eq3A_2 : vector<512x32xi1> to vector<512x32xi32>
    %convert_element_type3A_3 = arith.sitofp %convert_element_type3A : vector<512x32xi32> to vector<512x32xf32>
    %get3A_4 = arith.constant 0 : index
    %get3A_5 = arith.constant 0 : index
    %get3A_6 = arith.constant 0 : index
    %get3A_7 = vector.load %arg0[%get3A_4, %get3A_5, %get3A_6] : memref<2x512x128xf32, #tpu.memory_space<vmem>>, vector<1x512x128xf32>
    %get3A_8 = vector.shape_cast %get3A_7 : vector<1x512x128xf32> to vector<512x128xf32>
    %get3A_9 = arith.constant 1 : index
    %get3A_10 = arith.constant 0 : index
    %get3A_11 = arith.constant 0 : index
    %get3A_12 = vector.load %arg0[%get3A_9, %get3A_10, %get3A_11] : memref<2x512x128xf32, #tpu.memory_space<vmem>>, vector<1x512x128xf32>
    %get3A_13 = vector.shape_cast %get3A_12 : vector<1x512x128xf32> to vector<512x128xf32>
    %add3A = arith.addf %get3A_8, %get3A_13 : vector<512x128xf32>
    %get3A_14 = arith.constant 0 : index
    %get3A_15 = arith.constant 0 : index
    %get3A_16 = vector.load %arg1[%get3A_14, %get3A_15] : memref<32x128xf32, #tpu.memory_space<vmem>>, vector<32x128xf32>
    %dot_general3A = arith.constant dense<0.000000e+00> : vector<512x128xf32>
    %dot_general3A_17 = tpu.matmul %convert_element_type3A_3, %get3A_16, %dot_general3A {dimension_numbers = #tpu.dot_dimension_numbers<[1], [0], [0], [1], [0, 0, 1, 1], [], []>, transpose_lhs_hint = false} : vector<512x32xf32>, vector<32x128xf32>, vector<512x128xf32> -> vector<512x128xf32>
    %add3A_18 = arith.addf %add3A, %dot_general3A_17 : vector<512x128xf32>
    %get3A_19 = arith.constant 0 : index
    %get3A_20 = arith.constant 0 : index
    %get3A_21 = vector.load %arg3[%get3A_19, %get3A_20] : memref<128x128xf32, #tpu.memory_space<vmem>>, vector<128x128xf32>
    %dot_general3A_22 = arith.constant dense<0.000000e+00> : vector<512x128xf32>
    %dot_general3A_23 = tpu.matmul %add3A_18, %get3A_21, %dot_general3A_22 {dimension_numbers = #tpu.dot_dimension_numbers<[1], [1], [0], [0], [0, 0, 1, 0], [], []>, transpose_lhs_hint = false} : vector<512x128xf32>, vector<128x128xf32>, vector<512x128xf32> -> vector<512x128xf32>
    %get3A_24 = arith.constant 0 : index
    %get3A_25 = arith.constant 0 : index
    %get3A_26 = vector.load %arg4[%get3A_24, %get3A_25] : memref<1x128xf32, #tpu.memory_space<vmem>>, vector<1x128xf32>
    %add3A_27 = vector.broadcast %get3A_26 : vector<1x128xf32> to vector<512x128xf32>
    %add3A_28 = arith.addf %dot_general3A_23, %add3A_27 : vector<512x128xf32>
    %swap3A = arith.constant 0 : index
    %swap3A_29 = arith.constant 0 : index
    %swap3A_30 = vector.load %arg5[%swap3A, %swap3A_29] : memref<512x128xf32, #tpu.memory_space<vmem>>, vector<512x128xf32>
    tpu.vector_store %arg5[%swap3A, %swap3A_29], %add3A_28 {strides = array<i32>} : memref<512x128xf32, #tpu.memory_space<vmem>>, vector<512x128xf32>,
    return
  }
}

</mosaic_0001>

<sc_bundles>
// kernel: kernel.4.cloned.1.call-start
scs
__scs_entry_jumppad:
0x0: {  	(pc) =	sbr.rel $0x88, $3  }
0x1: {  	(tag) =	ssettag $0x0;
	lr =	simm.s32 $0x1  }
0x2: {  	[smem:$0x3F9D] =	sst lr;
	_ =	strace $0xD0000000  }
0x3: {  	_ = 	snop  }
0x4: {  	_ = 	snop  }
0x5: {  	_ = 	snop  }
0x6: {  	_ = 	snop  }
0x7: {  	_ = 	snop  }
__scs_overlays_trampoline_lowered:
0x8: {  	[smem:$0x3FAC] =	sst s0  }
0x9: {  	[smem:$0x3FAD] =	sst s1  }
0xa: {  	[smem:$0x3FAE] =	sst s2  }
0xb: {  	[smem:$0x3FAF] =	sst s3  }
0xc: {  	[smem:$0x3FB0] =	sst s4  }
0xd: {  	[smem:$0x3FB1] =	sst s5  }
0xe: {  	[smem:$0x3FB2] =	sst s6  }
0xf: {  	[smem:$0x3FB3] =	sst s7  }
0x10: {  	[smem:$0x3FB4] =	sst s8  }
0x11: {  	[smem:$0x3FB5] =	sst s9;
	s0 =	simm.s32 @!p0 $0x0  }
0x12: {  	s1 =	sld [smem:$0x3F9B];
	s0 =	simm.s32 @p0 $0x1  }
0x13: {  	[smem:$0x3FB6] =	sst s0;
	s0 =	simm.s32 @!p1 $0x0  }
0x14: {  	s2 =	sld [smem:$0x3F9A];
	s0 =	simm.s32 @p1 $0x1  }
0x15: {  	[smem:$0x3FB7] =	sst s0;
	s0 =	simm.s32 @!p2 $0x0  }
0x16: {  	s3 =	sld [smem:$0x3FDB];
	s0 =	simm.s32 @p2 $0x1  }
0x17: {  	s4 =	simm.s32 $0x1BF5;
	[smem:$0x3FB9] =	sst s0  }
0x18: {  	s0 =	sld [smem:$0x3F9C];
	_ =	swait.ge [sflag:s4], $0x0  }
0x19: {  	s7 =	sld [smem:$0x3F9D]  }
0x1a: {  	s8 =	sadd.s32 $0xFFFFE003, lr  }
0x1b: {  	s9 =	sadd.s32 $0xFFFFFEF7, lr;
	s5 =	simm.s32 $0xFFFFFFFF;
	p2 =	slt.u32 s8, $0xFFFFF086  }
0x1c: {  	p1 =	slt.u32 s9, $0xF7A;
	s5 =	simm.s32 @!p2 $0x0  }
0x1d: {  	s5 =	simm.s32 @p1 $0x1;
	p0 =	seq.s32 s7, s2  }
0x1e: {  	s7 =	smul.u32 @!p0 $0xF7A, s2;
	p2 =	seq.s32 @!p0 s5, $0x0  }
0x1f: {  	s9 =	smul.u32 $0xF7A, s1;
	s8 =	simm.s32 @!p0 $0x1BF5;
	p2 =	por !p2, p0  }
0x20: {  	[sflag:s8] =	ssyncset.s32 @!p0 $0xFFFFF086;
	s6 =	sadd.s32 @!p0 s3, s7;
	s7 =	simm.s32 @!p0 $0x108  }
0x21: {  	s3 =	sadd.s32 s3, s9;
	s6 =	sadd.s32 @!p0 $0x88, s6;
	s7 =	simm.s32 @p2 $0x1082  }
0x22: {  	[simem:s7], [sflag:s8] =	dma.local @!p0 [hbm:s6], $0xF7A  }
0x23: {  	s9 =	sor.u32 $0xD0000000, s2;
	s6 =	simm.s32 $0x108;
	_ =	swait.ge @!p0 [sflag:s8], $0x0  }
0x24: {  	s3 =	sadd.s32 $0x88, s3;
	s6 =	simm.s32 @!p1 $0x1082;
	[sflag:s4] =	ssyncset.s32 $0xFFFFF086  }
0x25: {  	[simem:s6], [sflag:s4] =	dma.local [hbm:s3], $0xF7A  }
0x26: {  	[smem:$0x3F9D] =	sst s1;
	(tag) =	ssettag s2;
	_ =	strace s9  }
0x27: {  	s1 =	sld [smem:$0x3FAD]  }
0x28: {  	s2 =	sld [smem:$0x3FAE]  }
0x29: {  	s4 =	sld [smem:$0x3FB0]  }
0x2a: {  	p0 =	seq.s32 s5, $0x0;
	s5 =	sld [smem:$0x3FB1]  }
0x2b: {  	s6 =	sld [smem:$0x3FB2]  }
0x2c: {  	s7 =	sld [smem:$0x3FB3]  }
0x2d: {  	s3 =	simm.s32 $0x108;
	s8 =	sld [smem:$0x3FB4]  }
0x2e: {  	s3 =	simm.s32 @!p0 $0x1082;
	s9 =	sld [smem:$0x3FB5]  }
0x2f: {  	lr =	sadd.s32 s0, s3;
	s0 =	sld [smem:$0x3FAC]  }
0x30: {  	s3 =	sld [smem:$0x3FAF]  }
0x31: {  	[smem:$0x3FB8] =	sst s10  }
0x32: {  	s10 =	sld [smem:$0x3FB6];
	_ =	sdelay $0x3  }
0x33: {  	p0 =	seq.s32 s10, $0x1;
	s10 =	sld [smem:$0x3FB8];
	_ =	sdelay $0x3  }
0x34: {  	[smem:$0x3FB8] =	sst s10  }
0x35: {  	s10 =	sld [smem:$0x3FB7];
	_ =	sdelay $0x3  }
0x36: {  	p1 =	seq.s32 s10, $0x1;
	s10 =	sld [smem:$0x3FB8];
	_ =	sdelay $0x3  }
0x37: {  	[smem:$0x3FB8] =	sst s10  }
0x38: {  	s10 =	sld [smem:$0x3FB9]  }
0x39: {  	_ = 	snop;
	(pc) =	sbr.ind lr, $3  }
0x3a: {  	_ = 	snop  }
0x3b: {  	_ = 	snop  }
0x3c: {  	p2 =	seq.s32 s10, $0x1;
	s10 =	sld [smem:$0x3FB8]  }
0x3d: {  	_ =	shalt  }
0x3e: {  	_ =	shalt  }
0x3f: {  	_ =	shalt  }
0x40: {  	_ =	shalt  }
0x41: {  	_ =	shalt  }
0x42: {  	_ =	shalt  }
0x43: {  	_ =	shalt  }
0x44: {  	_ =	shalt  }
0x45: {  	_ =	shalt  }
0x46: {  	_ =	shalt  }
0x47: {  	_ =	shalt  }
0x48: {  	_ =	shalt  }
0x49: {  	_ =	shalt  }
0x4a: {  	_ =	shalt  }
0x4b: {  	_ =	shalt  }
0x4c: {  	_ =	shalt  }
0x4d: {  	_ =	shalt  }
0x4e: {  	_ =	shalt  }
0x4f: {  	_ =	shalt  }
0x50: {  	_ =	shalt  }
0x51: {  	_ =	shalt  }
0x52: {  	_ =	shalt  }
0x53: {  	_ =	shalt  }
0x54: {  	_ =	shalt  }
0x55: {  	_ =	shalt  }
0x56: {  	_ =	shalt  }
0x57: {  	_ =	shalt  }
0x58: {  	_ =	shalt  }
0x59: {  	_ =	shalt  }
0x5a: {  	_ =	shalt  }
0x5b: {  	_ =	shalt  }
0x5c: {  	_ =	shalt  }
0x5d: {  	_ =	shalt  }
0x5e: {  	_ =	shalt  }
0x5f: {  	_ =	shalt  }
0x60: {  	_ =	shalt  }
0x61: {  	_ =	shalt  }
0x62: {  	_ =	shalt  }
0x63: {  	_ =	shalt  }
0x64: {  	_ =	shalt  }
0x65: {  	_ =	shalt  }
0x66: {  	_ =	shalt  }
0x67: {  	_ =	shalt  }
0x68: {  	_ =	shalt  }
0x69: {  	_ =	shalt  }
0x6a: {  	_ =	shalt  }
0x6b: {  	_ =	shalt  }
0x6c: {  	_ =	shalt  }
0x6d: {  	_ =	shalt  }
0x6e: {  	_ =	shalt  }
0x6f: {  	_ =	shalt  }
0x70: {  	_ =	shalt  }
0x71: {  	_ =	shalt  }
0x72: {  	_ =	shalt  }
0x73: {  	_ =	shalt  }
0x74: {  	_ =	shalt  }
0x75: {  	_ =	shalt  }
0x76: {  	_ =	shalt  }
0x77: {  	_ =	shalt  }
0x78: {  	_ =	shalt  }
0x79: {  	_ =	shalt  }
0x7a: {  	_ =	shalt  }
0x7b: {  	_ =	shalt  }
0x7c: {  	_ =	shalt  }
0x7d: {  	_ =	shalt  }
0x7e: {  	_ =	shalt  }
0x7f: {  	_ =	shalt  }
0x80: {  	_ =	shalt  }
0x81: {  	_ =	shalt  }
0x82: {  	_ =	shalt  }
0x83: {  	_ =	shalt  }
0x84: {  	_ =	shalt  }
0x85: {  	_ =	shalt  }
0x86: {  	_ =	shalt  }
0x87: {  	_ =	shalt  }
.Lfunc_end0:
.L_simem_size_0:
called_computation_lowered:
.L_overlay_start_0:
0x88: {  	s2 =	sld [smem:$0x3FD9]  }
0x89: {  	s3 =	sld [smem:$0x3FFE];
	_ =	sdelay $0x1  }
0x8a: {  	s1 =	srdreg.scid  }
0x8b: {  	s0 =	sand.u32 $0x1, s1  }
0x8c: {  	s17 =	sshll.u32 s0, $0xA;
	s2 =	sadd.s32 s3, s2  }
0x8d: {  	s2 =	sadd.s32 s2, s17  }
0x8e: {  	[smem:$0x3FC4] =	sst s2  }
0x8f: {  	_ = 	snop  }
0x90: {  	s2 =	sld [smem:$0x3FC9]  }
0x91: {  	s18 =	sld [smem:$0x3FC8];
	(tm) =	ssettm $0x1  }
0x92: {  	s4 =	sld [smem:$0x3FFB];
	_ =	sdelay $0x3  }
0x93: {  	_ =	strace s4  }
0x94: {  	s4 =	sld [smem:$0x3FFC];
	_ =	sdelay $0x3  }
0x95: {  	_ =	strace s4  }
0x96: {  	s4 =	sld [smem:$0x3FFD];
	_ =	sdelay $0x3  }
0x97: {  	_ =	strace s4  }
0x98: {  	_ =	strace $0x8FFFFFFF  }
0x99: {  	s19 =	sld [smem:$0x3FDB];
	_ =	sdelay $0x1  }
0x9a: {  	s5 =	simm.s32 $_scs_section_size  }
0x9b: {  	s6 =	simm.s32 $_size__tile_overlayer_lowered;
	s7 =	simm.s32 $_tile_overlayer_lowered  }
0x9c: {  	s22 =	simm.s32 $0x1BFF;
	s21 =	sshll.u32 s7, $0x1;
	s4 =	sadd.s32 s5, s19  }
0x9d: {  	s8 =	simm.s32 $0x0;
	s20 =	sshll.u32 s6, $0x1;
	s6 =	sadd.s32 s21, s4  }
0x9e: {  	[timem:s8], [sflag:s22] =	dma.local [hbm:s6], s20  }
0x9f: {  	_ =	swait.ge [sflag:s22], s20  }
0xa0: {  	s5 =	ssub.s32 $0x0, s20;
	[sflag:s22] =	ssyncset.done $0x0  }
0xa1: {  	[sflag:s22] =	ssyncadd.s32 s5;
	_ =	sdelay $0x1  }
0xa2: {  	s23 =	simm.s32 $0x1B8B  }
0xa3: {  	_ =	swait.ge [sflag:s23], $0x1  }
0xa4: {  	[sflag:s23] =	ssyncset.done $0x0  }
0xa5: {  	s25 =	simm.s32 $0x1B8E;
	s24 =	sld [smem:$0x3FFE];
	[sflag:s23] =	ssyncadd.s32 $0xFFFFFFFF  }
0xa6: {  	s26 =	simm.s32 $execute0_lowered;
	[smem:$0x3FD2] =	sst s25  }
0xa7: {  	s6 =	sshll.u32 s26, $0x1;
	_ =	strace $0x80000046;
	[dreg:$0x1] =	wrdreg $0xFFFFFFFF  }
0xa8: {  	s28 =	simm.s32 $_size_execute0_lowered;
	s4 =	sadd.s32 s4, s6;
	[dreg:$0x0] =	wrdreg $0x0  }
0xa9: {  	s6 =	sshll.u32 s28, $0x1;
	[dreg:$0x2] =	wrdreg s4  }
0xaa: {  	[dreg:$0x3] =	wrdreg s6  }
0xab: {  	[dreg:$0x4] =	wrdreg $0xC0  }
0xac: {  	_ =	task [dreg:s8], $0x5FFFF  }
0xad: {  	[dreg:$0x1] =	wrdreg $0xFFFFFFFF  }
0xae: {  	[dreg:$0x0] =	wrdreg $0x60  }
0xaf: {  	[dreg:$0x2] =	wrdreg s2  }
0xb0: {  	[dreg:$0x3] =	wrdreg s18  }
0xb1: {  	[dreg:$0x4] =	wrdreg s24  }
0xb2: {  	[dreg:$0x5] =	wrdreg $0x194000  }
0xb3: {  	[dreg:$0x6] =	wrdreg $0x9  }
0xb4: {  	_ =	task.clear_ibuf [dreg:s8], $0x7FFFF;
	_ =	strace $0x90000046  }
0xb5: {  	s29 =	simm.s32 $0x9;
	_ =	strace $0x80000048  }
0xb6: {  	_ =	swait.ge [sflag:s29], $0x1  }
0xb7: {  	[sflag:s29] =	ssyncadd.s32 $0xFFFFFFFF  }
0xb8: {  	_ =	strace $0x90000048  }
0xb9: {  	_ =	sfence  }
0xba: {  	s30 =	sld [smem:$0x0];
	_ =	sdelay $0x2  }
0xbb: {  	s31 =	sshll.u32 s1, $0xD;
	s1 =	sshrl.u32 s1, $0x2  }
0xbc: {  	s3 =	sand.u32 $0x4000, s31;
	s1 =	sadd.s32 s1, s30  }
0xbd: {  	s0 =	sor.u32 s3, s0;
	s1 =	sshll.u32 s1, $0x11  }
0xbe: {  	s0 =	sor.u32 s1, s0  }
0xbf: {  	s0 =	sadd.s32 $0x8F2B, s0  }
0xc0: {  	[sflag:s0] =	ssyncadd.remote.s32 $0x1  }
0xc1: {  	_ =	sfence.sel $0xFFFF  }
0xc2: {  	[dreg:$0x0] =	wrdreg $0xFFFFFFFF;
	(pc) =	sbr.abs _section_cstart, $3  }
0xc3: {  	[dreg:$0x1] =	wrdreg $0xFFFFFFFF  }
0xc4: {  	_ =	task.clear_ibuf [dreg:s8], $0x2FFFF;
	_ =	strace $0x9FFFFFFF  }
0xc5: {  	(tm) =	ssettm $0x7FFFFFFF  }
tec
execute0_lowered:
.L_overlay_start_1:
0x0: {  	(tag) =	ssettag $0x1  }
0x1: {  	s2 =	rddreg [dreg:$0x0]  }
0x2: {  	s23 =	rddreg [dreg:$0x1]  }
0x3: {  	s3 =	rddreg [dreg:$0x2]  }
0x4: {  	s4 =	rddreg [dreg:$0x3];
	s5 =	simm.s32 $0x0;
	s17 =	stileid.u32  }
0x5: {  	s0 =	srdreg.scid;
	s31 =	simm.s32 $0x19;
	s28 =	simm.s32 $0x8400  }
0x6: {  	s30 =	simm.s32 $0x100;
	[smem:$0x7FF] =	sst s5;
	s1 =	sand.u32 $0x1, s0  }
0x7: {  	s22 =	sshll.u32 s17, $0x1;
	s6 =	sshll.u32 s17, $0x9;
	s14 =	smul.u32 $0x30, s17  }
0x8: {  	_ =	strace $0x80000047;
	s0 =	sor.u32 s1, s22;
	s8 =	ssub.s32 $0x2, s1  }
0x9: {  	s7 =	sadd.s32 s6, s3;
	s16 =	smul.u32 $0x18, s1;
	s1 =	sshll.u32 s1, $0xD  }
0xa: {  	s9 =	smul.u32 $0x18, s0;
	s24 =	sshrl.u32 s8, $0x1;
	s10 =	smin.u32 s0, $0xD  }
0xb: {  	p0 =	slt.u32 s0, $0xD;
	s1 =	sadd.s32 s1, s7;
	s7 =	simm.s32 $0x2  }
0xc: {  	s3 =	ssub.s32 s8, s24;
	s1 =	sadd.s32 $0xA00, s1;
	s25 =	sadd.s32 s10, s9  }
0xd: {  	s16 =	sadd.s32 s16, s14;
	[smem:$0x7FB] =	sst s1;
	s9 =	sshll.u32 s25, $0xB  }
0xe: {  	s11 =	sshll.u32 s25, $0x7;
	s8 =	sshll.u32 s25, $0x4;
	s9 =	sadd.s32 s2, s9  }
0xf: {  	s26 =	sadd.s32 $0x180, s11;
	s12 =	sadd.s32 $0x80, s11;
	s8 =	sadd.s32 s23, s8  }
0x10: {  	s6 =	sadd.s32 $0x200, s11;
	[dreg:$0x1a] =	wrdreg s9;
	s13 =	sshll.u32 s26, $0x4  }
0x11: {  	[dreg:$0x1b] =	wrdreg s8;
	s29 =	sshll.u32 s12, $0x4;
	s9 =	sshrl.u32 s26, $0x3  }
0x12: {  	s15 =	sshll.u32 s6, $0x4;
	s13 =	sadd.s32 s2, s13;
	[dreg:$0x6] =	wrdreg s9  }
0x13: {  	s12 =	sshrl.u32 s12, $0x3;
	s8 =	sadd.s32 s2, s29;
	[dreg:$0x5] =	wrdreg s13  }
0x14: {  	s9 =	sadd.s32 s2, s15;
	s15 =	sadd.s32 $0x280, s11;
	[dreg:$0x1c] =	wrdreg s8  }
0x15: {  	s12 =	sadd.s32 s23, s12;
	s11 =	sadd.s32 $0x100, s11;
	[dreg:$0x7] =	wrdreg s9  }
0x16: {  	s13 =	sshrl.u32 s6, $0x3;
	s18 =	sshll.u32 s15, $0x4;
	[dreg:$0x1d] =	wrdreg s12  }
0x17: {  	s9 =	sadd.s32 s10, s16;
	s8 =	sshrl.u32 s15, $0x3;
	[dreg:$0x8] =	wrdreg s13  }
0x18: {  	s29 =	sshll.u32 s11, $0x4;
	s19 =	sadd.s32 s2, s18;
	[dreg:$0xa] =	wrdreg s8  }
0x19: {  	s11 =	sshrl.u32 s11, $0x3;
	s2 =	sadd.s32 s2, s29;
	[dreg:$0x9] =	wrdreg s19  }
0x1a: {  	s20 =	sshll.u32 s9, $0x4;
	s14 =	sadd.s32 s23, s11;
	[dreg:$0x1e] =	wrdreg s2  }
0x1b: {  	s9 =	sshll.u32 s9, $0xB;
	s29 =	simm.s32 $0x14400;
	[dreg:$0x1f] =	wrdreg s14  }
0x1c: {  	s31 =	simm.s32 @!p0 $0x18;
	s24 =	sadd.s32 $0x4000, s9;
	[dreg:$0x19] =	wrdreg s29  }
0x1d: {  	p0 =	sgt.u32 s0, $0xC;
	s26 =	sadd.s32 $0x3800, s9;
	[dreg:$0xc] =	wrdreg s24  }
0x1e: {  	s1 =	simm.s32 $0x0;
	s10 =	sadd.s32 $0x3000, s9;
	[dreg:$0xe] =	wrdreg s26  }
0x1f: {  	s16 =	sshll.u32 s17, $0xC;
	s12 =	sadd.s32 $0x50, s20;
	[dreg:$0x10] =	wrdreg s10  }
0x20: {  	s13 =	simm.s32 $0x1;
	s15 =	sadd.s32 $0x2800, s9;
	[dreg:$0x11] =	wrdreg s12  }
0x21: {  	s8 =	simm.s32 $0x8;
	s17 =	sadd.s32 $0x40, s20;
	[dreg:$0x12] =	wrdreg s15  }
0x22: {  	s21 =	sadd.s32 s20, s23;
	s18 =	sadd.s32 $0x2000, s9;
	[dreg:$0x13] =	wrdreg s17  }
0x23: {  	s2 =	sadd.s32 s16, s4;
	s19 =	sadd.s32 $0x30, s20;
	[dreg:$0x14] =	wrdreg s18  }
0x24: {  	s20 =	sadd.s32 $0x1800, s9;
	s9 =	simm.s32 $0x200;
	[dreg:$0x15] =	wrdreg s19  }
0x25: {  	s22 =	sadd.s32 $0x80, s21;
	s25 =	sadd.s32 $0x70, s21;
	[dreg:$0x16] =	wrdreg s20  }
0x26: {  	s6 =	sadd.s32 $0x60, s21;
	s21 =	smax.u32 s3, $0x1;
	[smem:$0x7FD] =	sst s2  }
0x27: {  	s24 =	simm.s32 $0x400;
	s26 =	simm.s32 $0x4400;
	[dreg:$0xb] =	wrdreg s22  }
0x28: {  	s18 =	simm.s32 $0x80;
	s12 =	simm.s32 $0x13;
	[dreg:$0xd] =	wrdreg s25  }
0x29: {  	s3 =	simm.s32 $0x7;
	s15 =	simm.s32 $0x180;
	[dreg:$0xf] =	wrdreg s6  }
0x2a: {  	s10 =	simm.s32 $0x3;
	[smem:$0x7FC] =	sst s21;
	s22 =	simm.s32 $0xC400  }
0x2b: {  	s17 =	simm.s32 $0x9;
	s25 =	simm.s32 $0x10400;
	[dreg:$0x17] =	wrdreg s22  }
0x2c: {  	v0 =	vimm.f32 $0.0e+00;
	s21 =	simm.s32 $0x0;
	s6 =	simm.s32 $0x200;
	[dreg:$0x18] =	wrdreg s25  }
.LBB2_1:
0x2d: {  	[smem:$0x7FA] =	sst s1  }
0x2e: {  	s0 =	rddreg [dreg:$0x1a]  }
0x2f: {  	[tilespmem:s24], [sflag:$0x1] =	stream.linear.gather [hbm4b:s0+s5], $0x4000, $0x38;
	[tilespmem:$0x1A400] =	vst v63  }
0x30: {  	s19 =	rddreg [dreg:$0x1b]  }
0x31: {  	[tilespmem:s5], [sflag:$0x7] =	stream.linear.gather [hbm4b:s19+s5], $0x80, $0x38;
	[tilespmem:$0x1A400] =	vst v63  }
0x32: {  	s20 =	rddreg [dreg:$0x1c]  }
0x33: {  	[tilespmem:s26], [sflag:$0x2] =	stream.linear.gather [hbm4b:s20+s5], $0x4000, $0x38;
	[tilespmem:$0x1A400] =	vst v63  }
0x34: {  	s22 =	rddreg [dreg:$0x1d]  }
0x35: {  	[tilespmem:s18], [sflag:$0x8] =	stream.linear.gather [hbm4b:s22+s5], $0x80, $0x38;
	[tilespmem:$0x1A400] =	vst v63  }
0x36: {  	s25 =	rddreg [dreg:$0x1e]  }
0x37: {  	[tilespmem:s28], [sflag:$0x3] =	stream.linear.gather [hbm4b:s25+s5], $0x4000, $0x38;
	[tilespmem:$0x1A400] =	vst v63  }
0x38: {  	s29 =	rddreg [dreg:$0x1f];
	s1 =	simm.s32 $0x0;
	s11 =	simm.s32 $0x200  }
0x39: {  	[tilespmem:s30], [sflag:$0x9] =	stream.linear.gather [hbm4b:s29+s5], $0x80, $0x38;
	[tilespmem:$0x1A400] =	vst v63  }
.LBB2_2:
0x3a: {  	p1 =	sne.s32 s11, $0x3E00;
	[tilespmem:s1+$0x18470] =	vst v0  }
0x3b: {  	[tilespmem:s1+$0x18400] =	vst v0  }
0x3c: {  	[tilespmem:s1+$0x18410] =	vst v0  }
.Ltmp0:
0x3d: {  	[tilespmem:s1+$0x18420] =	vst v0;
	(pc) =	sbr.rel @p1 .LBB2_2-.Ltmp0, $4  }
0x3e: {  	[tilespmem:s1+$0x18430] =	vst v0  }
0x3f: {  	[tilespmem:s1+$0x18440] =	vst v0  }
0x40: {  	[tilespmem:s1+$0x18450] =	vst v0  }
0x41: {  	[tilespmem:s1+$0x18460] =	vst v0;
	s1 =	sshra.s32 s11, $0x2;
	s11 =	sadd.s32 $0x200, s11  }
0x42: {  	[tilespmem:s1+$0x18470] =	vst v0  }
0x43: {  	[tilespmem:s1+$0x18400] =	vst v0  }
0x44: {  	[tilespmem:s1+$0x18410] =	vst v0  }
0x45: {  	[tilespmem:s1+$0x18420] =	vst v0  }
0x46: {  	[tilespmem:s1+$0x18430] =	vst v0  }
0x47: {  	[tilespmem:s1+$0x18440] =	vst v0  }
0x48: {  	[tilespmem:s1+$0x18450] =	vst v0  }
0x49: {  	[tilespmem:s1+$0x18460] =	vst v0;
	s0 =	simm.s32 $0x18400  }
0x4a: {  	[spmem:s2] =	stream.linear.scatter [tilespmem:s0], [sflag:$0x13], $0x1000, $0x38;
	[tilespmem:$0x1A400] =	vst v63  }
0x4b: {  	_ =	swait.ge [sflag:s12], $0x1000  }
0x4c: {  	[sflag:s12] =	ssyncset.done $0x0  }
0x4d: {  	[sflag:s12] =	ssyncadd.s32 $0xFFFFF000  }
0x4e: {  	[bflag:$0x0] =	sbarrier.arrive $0xFFFF  }
0x4f: {  	_ =	swait.ge [sflag:s13], $0x4000  }
0x50: {  	[sflag:s13] =	ssyncset.done $0x0  }
0x51: {  	[sflag:s13] =	ssyncadd.s32 $0xFFFFC000  }
0x52: {  	_ =	swait.ge [sflag:s3], $0x80  }
0x53: {  	p2 =	por $0x1, $0x1;
	[sflag:s3] =	ssyncset.done $0x0  }
0x54: {  	s1 =	simm.s32 @!p2 $0x10;
	s11 =	simm.s32 @p2 $0x4;
	[sflag:s3] =	ssyncadd.s32 $0xFFFFFF80  }
0x55: {  	[spmem:s4] =	stream.indirect.scatter.add.f32 [tilespmem:s24], [sflag:$0xD], $0x80, s5, s18, $0xb8;
	[tilespmem:$0x1A400] =	vst v63  }
0x56: {  	s12 =	simm.s32 @p2 $0x0;
	s13 =	simm.s32 @p2 $0xC400;
	s0 =	rddreg [dreg:$0x5]  }
0x57: {  	[tilespmem:s13], [sflag:s11] =	stream.linear.gather @p2 [hbm4b:s0+s12], $0x4000, $0x38;
	[tilespmem:$0x1A400] =	vst v63  }
0x58: {  	_ =	swait.ge @!p2 [sflag:s1], $0x4000  }
0x59: {  	s0 =	rddreg [dreg:$0x16]  }
0x5a: {  	s11 =	rddreg [dreg:$0x15];
	[sflag:s1] =	ssyncset.done @!p2 $0x0  }
0x5b: {  	s14 =	simm.s32 @p2 $0xA;
	s13 =	rddreg [dreg:$0x6];
	[sflag:s1] =	ssyncadd.s32 @!p2 $0xFFFFC000  }
0x5c: {  	s16 =	simm.s32 @!p2 $0x0;
	s1 =	sadd.s32 @!p2 $0x0, s11;
	s2 =	rddreg [dreg:$0x0]  }
0x5d: {  	s11 =	simm.s32 @!p2 $0xC400;
	s1 =	smov.u32 @p2 s13;
	s0 =	sadd.s32 @!p2 s2, s0  }
0x5e: {  	[tilespmem:s11], [sflag:$0x4] =	stream.linear.gather @!p2 [hbm4b:s0+s16], $0x4000, $0x38;
	[tilespmem:$0x1A400] =	vst v63  }
0x5f: {  	s14 =	simm.s32 @!p2 $0xA;
	s25 =	sadd.s32 s23, s1  }
0x60: {  	[tilespmem:s15], [sflag:s14] =	stream.linear.gather [hbm4b:s25+s5], $0x80, $0x38;
	[tilespmem:$0x1A400] =	vst v63  }
0x61: {  	_ =	swait.ge [sflag:s7], $0x4000  }
0x62: {  	[sflag:s7] =	ssyncset.done $0x0  }
0x63: {  	[sflag:s7] =	ssyncadd.s32 $0xFFFFC000  }
0x64: {  	_ =	swait.ge [sflag:s8], $0x80  }
0x65: {  	[sflag:s8] =	ssyncset.done $0x0  }
0x66: {  	s13 =	simm.s32 @!p2 $0x11;
	[sflag:s8] =	ssyncadd.s32 $0xFFFFFF80  }
0x67: {  	[spmem:s4] =	stream.indirect.scatter.add.f32 [tilespmem:s26], [sflag:$0xE], $0x80, s18, s18, $0xb8;
	[tilespmem:$0x1A400] =	vst v63  }
0x68: {  	s1 =	simm.s32 @p2 $0x5;
	s11 =	simm.s32 @p2 $0x10400;
	s0 =	rddreg [dreg:$0x7]  }
0x69: {  	[tilespmem:s11], [sflag:s1] =	stream.linear.gather @p2 [hbm4b:s0+s12], $0x4000, $0x38;
	[tilespmem:$0x1A400] =	vst v63  }
0x6a: {  	_ =	swait.ge @!p2 [sflag:s13], $0x4000  }
0x6b: {  	s0 =	rddreg [dreg:$0x14]  }
0x6c: {  	s1 =	rddreg [dreg:$0x13]  }
0x6d: {  	[sflag:s13] =	ssyncset.done @!p2 $0x0;
	s11 =	rddreg [dreg:$0x8];
	s0 =	sadd.s32 @!p2 s2, s0  }
0x6e: {  	[sflag:s13] =	ssyncadd.s32 @!p2 $0xFFFFC000;
	s13 =	simm.s32 @!p2 $0x10400;
	s1 =	sadd.s32 @!p2 $0x0, s1  }
0x6f: {  	[tilespmem:s13], [sflag:$0x5] =	stream.linear.gather @!p2 [hbm4b:s0+s16], $0x4000, $0x38;
	[tilespmem:$0x1A400] =	vst v63  }
0x70: {  	s0 =	simm.s32 @p2 $0xB;
	s1 =	smov.u32 @p2 s11  }
0x71: {  	s0 =	simm.s32 @!p2 $0xB;
	s1 =	sadd.s32 s23, s1  }
0x72: {  	[tilespmem:s9], [sflag:s0] =	stream.linear.gather [hbm4b:s1+s5], $0x80, $0x38;
	[tilespmem:$0x1A400] =	vst v63  }
0x73: {  	_ =	swait.ge [sflag:s10], $0x4000  }
0x74: {  	[sflag:s10] =	ssyncset.done $0x0  }
0x75: {  	[sflag:s10] =	ssyncadd.s32 $0xFFFFC000  }
0x76: {  	s22 =	simm.s32 $0x18;
	s19 =	simm.s32 @p2 $0xC;
	_ =	swait.ge [sflag:s17], $0x80  }
0x77: {  	s29 =	simm.s32 @!p2 $0x12;
	s19 =	simm.s32 @!p2 $0xC;
	[sflag:s17] =	ssyncset.done $0x0  }
0x78: {  	s15 =	simm.s32 $0x0;
	s14 =	sadd.s32 $0x3000, s2;
	[sflag:s17] =	ssyncadd.s32 $0xFFFFFF80  }
0x79: {  	[spmem:s4] =	stream.indirect.scatter.add.f32 [tilespmem:s28], [sflag:$0xF], $0x80, s30, s18, $0xb8;
	[tilespmem:$0x1A400] =	vst v63  }
0x7a: {  	s11 =	simm.s32 @p2 $0x14400;
	s1 =	simm.s32 @p2 $0x6;
	s0 =	rddreg [dreg:$0x9]  }
0x7b: {  	[tilespmem:s11], [sflag:s1] =	stream.linear.gather @p2 [hbm4b:s0+s12], $0x4000, $0x38;
	[tilespmem:$0x1A400] =	vst v63  }
0x7c: {  	s13 =	simm.s32 $0x60;
	s9 =	simm.s32 $0x9;
	_ =	swait.ge @!p2 [sflag:s29], $0x4000  }
0x7d: {  	s5 =	simm.s32 $0x4;
	s10 =	simm.s32 $0x3;
	s0 =	rddreg [dreg:$0x12]  }
0x7e: {  	s17 =	simm.s32 @!p2 $0x14400;
	s11 =	simm.s32 $0x8;
	s1 =	rddreg [dreg:$0x11]  }
0x7f: {  	s12 =	simm.s32 $0xE;
	s20 =	rddreg [dreg:$0xa];
	[sflag:s29] =	ssyncset.done @!p2 $0x0  }
0x80: {  	s25 =	sadd.s32 @!p2 s2, s0;
	s0 =	sadd.s32 @!p2 $0x0, s1;
	s1 =	smov.u32 s2  }
.LBB2_4:
0x81: {  	[sflag:s29] =	ssyncadd.s32 @!p2 $0xFFFFC000;
	s0 =	smov.u32 @p2 s20  }
0x82: {  	[tilespmem:s17], [sflag:$0x6] =	stream.linear.gather @!p2 [hbm4b:s25+s16], $0x4000, $0x38;
	[tilespmem:$0x1A400] =	vst v63  }
0x83: {  	s2 =	simm.s32 $0x280;
	s0 =	sadd.s32 s23, s0  }
0x84: {  	[tilespmem:s2], [sflag:s19] =	stream.linear.gather [hbm4b:s0+s21], $0x80, $0x38;
	[tilespmem:$0x1A400] =	vst v63  }
0x85: {  	_ =	swait.ge [sflag:s5], $0x4000  }
0x86: {  	[sflag:s5] =	ssyncset.done $0x0  }
0x87: {  	s3 =	simm.s32 $0xA;
	[sflag:s5] =	ssyncadd.s32 $0xFFFFC000  }
0x88: {  	s17 =	sadd.s32 $0xFFFFFFFE, s11;
	_ =	swait.ge [sflag:s3], $0x80  }
0x89: {  	s7 =	simm.s32 $0x180;
	p2 =	sge.u32 s17, s31;
	[sflag:s3] =	ssyncset.done $0x0  }
0x8a: {  	s16 =	simm.s32 @!p2 $0xD;
	s8 =	rddreg [dreg:$0x17];
	[sflag:s3] =	ssyncadd.s32 $0xFFFFFF80  }
0x8b: {  	[spmem:s4] =	stream.indirect.scatter.add.f32 [tilespmem:s8], [sflag:$0x10], $0x80, s7, s18, $0xb8;
	[tilespmem:$0x1A400] =	vst v63  }
0x8c: {  	_ =	swait.ge @!p2 [sflag:s16], $0x4000  }
0x8d: {  	s0 =	rddreg [dreg:$0x10]  }
0x8e: {  	s19 =	simm.s32 @!p2 $0x400;
	[sflag:s16] =	ssyncset.done @!p2 $0x0;
	s17 =	rddreg [dreg:$0xf]  }
0x8f: {  	[sflag:s16] =	ssyncadd.s32 @!p2 $0xFFFFC000;
	s0 =	sadd.s32 @!p2 s1, s0;
	s16 =	simm.s32 @!p2 $0x0  }
0x90: {  	[tilespmem:s19], [sflag:$0x1] =	stream.linear.gather @!p2 [hbm4b:s0+s16], $0x4000, $0x38;
	[tilespmem:$0x1A400] =	vst v63  }
0x91: {  	s0 =	sadd.s32 @!p2 s15, s17;
	s19 =	simm.s32 $0x5  }
0x92: {  	[tilespmem:s16], [sflag:$0x7] =	stream.linear.gather @!p2 [hbm4b:s0+s16], $0x80, $0x38;
	[tilespmem:$0x1A400] =	vst v63  }
0x93: {  	_ =	swait.ge [sflag:s19], $0x4000  }
0x94: {  	[sflag:s19] =	ssyncset.done $0x0  }
0x95: {  	s25 =	simm.s32 $0xB;
	[sflag:s19] =	ssyncadd.s32 $0xFFFFC000  }
0x96: {  	s8 =	sadd.s32 $0xFFFFFFFF, s11;
	_ =	swait.ge [sflag:s25], $0x80  }
0x97: {  	p2 =	sge.u32 s8, s31;
	[sflag:s25] =	ssyncset.done $0x0  }
0x98: {  	s16 =	simm.s32 @!p2 $0xE;
	s26 =	rddreg [dreg:$0x18];
	[sflag:s25] =	ssyncadd.s32 $0xFFFFFF80  }
0x99: {  	[spmem:s4] =	stream.indirect.scatter.add.f32 [tilespmem:s26], [sflag:$0x11], $0x80, s6, s18, $0xb8;
	[tilespmem:$0x1A400] =	vst v63  }
0x9a: {  	s19 =	simm.s32 @!p2 $0x0;
	_ =	swait.ge @!p2 [sflag:s16], $0x4000  }
0x9b: {  	s25 =	simm.s32 @!p2 $0x4400;
	s0 =	rddreg [dreg:$0xe];
	[sflag:s16] =	ssyncset.done @!p2 $0x0  }
0x9c: {  	s17 =	rddreg [dreg:$0xd];
	[sflag:s16] =	ssyncadd.s32 @!p2 $0xFFFFC000;
	s0 =	sadd.s32 @!p2 s1, s0  }
0x9d: {  	[tilespmem:s25], [sflag:$0x2] =	stream.linear.gather @!p2 [hbm4b:s0+s19], $0x4000, $0x38;
	[tilespmem:$0x1A400] =	vst v63  }
0x9e: {  	s16 =	simm.s32 @!p2 $0x80;
	s0 =	sadd.s32 @!p2 s15, s17  }
0x9f: {  	[tilespmem:s16], [sflag:$0x8] =	stream.linear.gather @!p2 [hbm4b:s0+s19], $0x80, $0x38;
	[tilespmem:$0x1A400] =	vst v63  }
0xa0: {  	s16 =	simm.s32 $0x6  }
0xa1: {  	_ =	swait.ge [sflag:s16], $0x4000  }
0xa2: {  	[sflag:s16] =	ssyncset.done $0x0  }
0xa3: {  	s17 =	simm.s32 $0xC;
	[sflag:s16] =	ssyncadd.s32 $0xFFFFC000  }
0xa4: {  	_ =	swait.ge [sflag:s17], $0x80  }
0xa5: {  	p2 =	sge.u32 s11, s31;
	[sflag:s17] =	ssyncset.done $0x0  }
0xa6: {  	s16 =	simm.s32 @!p2 $0xF;
	s19 =	rddreg [dreg:$0x19];
	[sflag:s17] =	ssyncadd.s32 $0xFFFFFF80  }
0xa7: {  	[spmem:s4] =	stream.indirect.scatter.add.f32 [tilespmem:s19], [sflag:$0x12], $0x80, s2, s18, $0xb8;
	[tilespmem:$0x1A400] =	vst v63  }
0xa8: {  	_ =	swait.ge @!p2 [sflag:s16], $0x4000  }
0xa9: {  	s0 =	rddreg [dreg:$0xc]  }
0xaa: {  	s19 =	simm.s32 @!p2 $0x0;
	[sflag:s16] =	ssyncset.done @!p2 $0x0;
	s17 =	rddreg [dreg:$0xb]  }
0xab: {  	[sflag:s16] =	ssyncadd.s32 @!p2 $0xFFFFC000;
	s0 =	sadd.s32 @!p2 s1, s0;
	s1 =	simm.s32 @!p2 $0x8400  }
0xac: {  	[tilespmem:s1], [sflag:$0x3] =	stream.linear.gather @!p2 [hbm4b:s0+s19], $0x4000, $0x38;
	[tilespmem:$0x1A400] =	vst v63  }
0xad: {  	s25 =	simm.s32 $0x1;
	s16 =	simm.s32 @!p2 $0x100;
	s0 =	sadd.s32 @!p2 s15, s17  }
0xae: {  	[tilespmem:s16], [sflag:$0x9] =	stream.linear.gather @!p2 [hbm4b:s0+s19], $0x80, $0x38;
	[tilespmem:$0x1A400] =	vst v63  }
0xaf: {  	_ =	swait.ge [sflag:s25], $0x4000  }
0xb0: {  	s20 =	smov.u32 s13;
	[sflag:s25] =	ssyncset.done $0x0  }
0xb1: {  	s26 =	simm.s32 $0x7;
	s15 =	smov.u32 s20;
	[sflag:s25] =	ssyncadd.s32 $0xFFFFC000  }
0xb2: {  	p2 =	seq.s32 s15, $0x0;
	_ =	swait.ge [sflag:s26], $0x80  }
0xb3: {  	s16 =	simm.s32 @!p2 $0x10;
	[sflag:s26] =	ssyncset.done $0x0  }
0xb4: {  	s19 =	sshra.s32 @p2 s22, $0x2;
	s20 =	simm.s32 @p2 $0x0;
	[sflag:s26] =	ssyncadd.s32 $0xFFFFFF80  }
0xb5: {  	[spmem:s4] =	stream.indirect.scatter.add.f32 [tilespmem:s24], [sflag:$0xD], $0x80, s21, s18, $0xb8;
	[tilespmem:$0x1A400] =	vst v63  }
0xb6: {  	s29 =	simm.s32 @p2 $0xC400;
	s25 =	sadd.s32 @p2 $0x4, s19;
	s0 =	rddreg [dreg:$0x5]  }
0xb7: {  	[tilespmem:s29], [sflag:s25] =	stream.linear.gather @p2 [hbm4b:s0+s20], $0x4000, $0x38;
	[tilespmem:$0x1A400] =	vst v63  }
0xb8: {  	_ =	swait.ge @!p2 [sflag:s16], $0x4000  }
0xb9: {  	s30 =	smov.u32 s23;
	[sflag:s16] =	ssyncset.done @!p2 $0x0;
	s23 =	rddreg [dreg:$0x16]  }
0xba: {  	s28 =	simm.s32 @!p2 $0xC400;
	[sflag:s16] =	ssyncadd.s32 @!p2 $0xFFFFC000;
	s16 =	rddreg [dreg:$0x15]  }
0xbb: {  	s0 =	sadd.s32 @p2 $0xA, s19;
	s24 =	rddreg [dreg:$0x6];
	s26 =	sadd.s32 @!p2 s15, s16  }
0xbc: {  	s23 =	sadd.s32 @!p2 s14, s23;
	s16 =	simm.s32 @!p2 $0x0;
	s26 =	smov.u32 @p2 s24  }
0xbd: {  	[tilespmem:s28], [sflag:$0x4] =	stream.linear.gather @!p2 [hbm4b:s23+s16], $0x4000, $0x38;
	[tilespmem:$0x1A400] =	vst v63  }
0xbe: {  	s0 =	simm.s32 @!p2 $0xA;
	s24 =	simm.s32 $0x2;
	s3 =	sadd.s32 s30, s26  }
0xbf: {  	[tilespmem:s7], [sflag:s0] =	stream.linear.gather [hbm4b:s3+s21], $0x80, $0x38;
	[tilespmem:$0x1A400] =	vst v63  }
0xc0: {  	_ =	swait.ge [sflag:s24], $0x4000  }
0xc1: {  	[sflag:s24] =	ssyncset.done $0x0  }
0xc2: {  	s3 =	simm.s32 $0x8;
	[sflag:s24] =	ssyncadd.s32 $0xFFFFC000  }
0xc3: {  	_ =	swait.ge [sflag:s3], $0x80  }
0xc4: {  	[sflag:s3] =	ssyncset.done $0x0  }
0xc5: {  	s2 =	sadd.s32 @p2 $0x5, s19;
	s26 =	simm.s32 $0x4400;
	[sflag:s3] =	ssyncadd.s32 $0xFFFFFF80  }
0xc6: {  	[spmem:s4] =	stream.indirect.scatter.add.f32 [tilespmem:s26], [sflag:$0xE], $0x80, s18, s18, $0xb8;
	[tilespmem:$0x1A400] =	vst v63  }
0xc7: {  	s23 =	simm.s32 @p2 $0x10400;
	s24 =	simm.s32 @!p2 $0x11;
	s0 =	rddreg [dreg:$0x7]  }
0xc8: {  	[tilespmem:s23], [sflag:s2] =	stream.linear.gather @p2 [hbm4b:s0+s20], $0x4000, $0x38;
	[tilespmem:$0x1A400] =	vst v63  }
0xc9: {  	_ =	swait.ge @!p2 [sflag:s24], $0x4000  }
0xca: {  	s0 =	rddreg [dreg:$0x14]  }
0xcb: {  	s2 =	rddreg [dreg:$0x13]  }
0xcc: {  	[sflag:s24] =	ssyncset.done @!p2 $0x0;
	s23 =	rddreg [dreg:$0x8];
	s0 =	sadd.s32 @!p2 s14, s0  }
0xcd: {  	[sflag:s24] =	ssyncadd.s32 @!p2 $0xFFFFC000;
	s24 =	simm.s32 @!p2 $0x10400;
	s2 =	sadd.s32 @!p2 s15, s2  }
0xce: {  	[tilespmem:s24], [sflag:$0x5] =	stream.linear.gather @!p2 [hbm4b:s0+s16], $0x4000, $0x38;
	[tilespmem:$0x1A400] =	vst v63  }
0xcf: {  	s29 =	sadd.s32 @p2 $0xB, s19;
	s2 =	smov.u32 @p2 s23;
	s23 =	smov.u32 s30  }
0xd0: {  	s29 =	simm.s32 @!p2 $0xB;
	s7 =	sadd.s32 s23, s2  }
0xd1: {  	[tilespmem:s6], [sflag:s29] =	stream.linear.gather [hbm4b:s7+s21], $0x80, $0x38;
	[tilespmem:$0x1A400] =	vst v63  }
0xd2: {  	_ =	swait.ge [sflag:s10], $0x4000  }
0xd3: {  	s13 =	sadd.s32 $0x60, s13;
	[sflag:s10] =	ssyncset.done $0x0  }
0xd4: {  	p1 =	sne.s32 s13, $0x180;
	s8 =	simm.s32 $0x180;
	[sflag:s10] =	ssyncadd.s32 $0xFFFFC000  }
0xd5: {  	s11 =	smov.u32 s12;
	s12 =	sadd.s32 $0x6, s12;
	_ =	swait.ge [sflag:s9], $0x80  }
0xd6: {  	s1 =	smov.u32 s14;
	s25 =	sadd.s32 @p2 $0x6, s19;
	[sflag:s9] =	ssyncset.done $0x0  }
0xd7: {  	s28 =	simm.s32 $0x8400;
	s30 =	simm.s32 $0x100;
	[sflag:s9] =	ssyncadd.s32 $0xFFFFFF80  }
0xd8: {  	[spmem:s4] =	stream.indirect.scatter.add.f32 [tilespmem:s28], [sflag:$0xF], $0x80, s30, s18, $0xb8;
	[tilespmem:$0x1A400] =	vst v63  }
0xd9: {  	s2 =	simm.s32 @p2 $0x14400;
	s29 =	simm.s32 @!p2 $0x12;
	s0 =	rddreg [dreg:$0x9]  }
0xda: {  	[tilespmem:s2], [sflag:s25] =	stream.linear.gather @p2 [hbm4b:s0+s20], $0x4000, $0x38;
	[tilespmem:$0x1A400] =	vst v63  }
.Ltmp1:
0xdb: {  	s17 =	simm.s32 @!p2 $0x14400;
	_ =	swait.ge @!p2 [sflag:s29], $0x4000;
	(pc) =	sbr.rel @p1 .LBB2_4-.Ltmp1, $4  }
0xdc: {  	s22 =	sadd.s32 $0x18, s22;
	s19 =	sadd.s32 @p2 $0xC, s19;
	s0 =	rddreg [dreg:$0x12]  }
0xdd: {  	s19 =	simm.s32 @!p2 $0xC;
	s3 =	simm.s32 $0x200;
	s2 =	rddreg [dreg:$0x11]  }
0xde: {  	s24 =	simm.s32 $0x400;
	s20 =	rddreg [dreg:$0xa];
	[sflag:s29] =	ssyncset.done @!p2 $0x0  }
0xdf: {  	s25 =	sadd.s32 @!p2 s14, s0;
	s0 =	sadd.s32 @!p2 s15, s2;
	s14 =	sadd.s32 $0x3000, s14  }
0xe0: {  	[sflag:s29] =	ssyncadd.s32 @!p2 $0xFFFFC000;
	s0 =	smov.u32 @p2 s20  }
0xe1: {  	[tilespmem:s17], [sflag:$0x6] =	stream.linear.gather @!p2 [hbm4b:s25+s16], $0x4000, $0x38;
	[tilespmem:$0x1A400] =	vst v63  }
0xe2: {  	s7 =	simm.s32 $0x280;
	s0 =	sadd.s32 s23, s0  }
0xe3: {  	[tilespmem:s7], [sflag:s19] =	stream.linear.gather [hbm4b:s0+s21], $0x80, $0x38;
	[tilespmem:$0x1A400] =	vst v63  }
0xe4: {  	_ =	swait.ge [sflag:s5], $0x4000  }
0xe5: {  	[sflag:s5] =	ssyncset.done $0x0  }
0xe6: {  	s17 =	simm.s32 $0xA;
	[sflag:s5] =	ssyncadd.s32 $0xFFFFC000  }
0xe7: {  	s2 =	sadd.s32 $0xFFFFFFFE, s11;
	_ =	swait.ge [sflag:s17], $0x80  }
0xe8: {  	p1 =	sge.u32 s2, s31;
	[sflag:s17] =	ssyncset.done $0x0  }
0xe9: {  	s2 =	simm.s32 @!p1 $0xD;
	s19 =	rddreg [dreg:$0x17];
	[sflag:s17] =	ssyncadd.s32 $0xFFFFFF80  }
0xea: {  	[spmem:s4] =	stream.indirect.scatter.add.f32 [tilespmem:s19], [sflag:$0x10], $0x80, s8, s18, $0xb8;
	[tilespmem:$0x1A400] =	vst v63  }
0xeb: {  	_ =	swait.ge @!p1 [sflag:s2], $0x4000  }
0xec: {  	s0 =	rddreg [dreg:$0x10]  }
0xed: {  	s13 =	simm.s32 @!p1 $0x400;
	[sflag:s2] =	ssyncset.done @!p1 $0x0;
	s12 =	rddreg [dreg:$0xf]  }
0xee: {  	[sflag:s2] =	ssyncadd.s32 @!p1 $0xFFFFC000;
	s0 =	sadd.s32 @!p1 s1, s0;
	s2 =	simm.s32 @!p1 $0x0  }
0xef: {  	[tilespmem:s13], [sflag:$0x1] =	stream.linear.gather @!p1 [hbm4b:s0+s2], $0x4000, $0x38;
	[tilespmem:$0x1A400] =	vst v63  }
0xf0: {  	s20 =	simm.s32 $0x5;
	s0 =	sadd.s32 @!p1 s15, s12  }
0xf1: {  	[tilespmem:s2], [sflag:$0x7] =	stream.linear.gather @!p1 [hbm4b:s0+s2], $0x80, $0x38;
	[tilespmem:$0x1A400] =	vst v63  }
0xf2: {  	_ =	swait.ge [sflag:s20], $0x4000  }
0xf3: {  	[sflag:s20] =	ssyncset.done $0x0  }
0xf4: {  	s22 =	simm.s32 $0xB;
	[sflag:s20] =	ssyncadd.s32 $0xFFFFC000  }
0xf5: {  	s29 =	sadd.s32 $0xFFFFFFFF, s11;
	_ =	swait.ge [sflag:s22], $0x80  }
0xf6: {  	p1 =	sge.u32 s29, s31;
	[sflag:s22] =	ssyncset.done $0x0  }
0xf7: {  	s2 =	simm.s32 @!p1 $0xE;
	s25 =	rddreg [dreg:$0x18];
	[sflag:s22] =	ssyncadd.s32 $0xFFFFFF80  }
0xf8: {  	[spmem:s4] =	stream.indirect.scatter.add.f32 [tilespmem:s25], [sflag:$0x11], $0x80, s3, s18, $0xb8;
	[tilespmem:$0x1A400] =	vst v63  }
0xf9: {  	_ =	swait.ge @!p1 [sflag:s2], $0x4000  }
0xfa: {  	s0 =	rddreg [dreg:$0xe]  }
0xfb: {  	s13 =	simm.s32 @!p1 $0x4400;
	[sflag:s2] =	ssyncset.done @!p1 $0x0;
	s12 =	rddreg [dreg:$0xd]  }
0xfc: {  	[sflag:s2] =	ssyncadd.s32 @!p1 $0xFFFFC000;
	s0 =	sadd.s32 @!p1 s1, s0;
	s2 =	simm.s32 @!p1 $0x0  }
0xfd: {  	[tilespmem:s13], [sflag:$0x2] =	stream.linear.gather @!p1 [hbm4b:s0+s2], $0x4000, $0x38;
	[tilespmem:$0x1A400] =	vst v63  }
0xfe: {  	s8 =	simm.s32 $0x6;
	s12 =	sadd.s32 @!p1 s15, s12;
	s0 =	simm.s32 @!p1 $0x80  }
0xff: {  	[tilespmem:s0], [sflag:$0x8] =	stream.linear.gather @!p1 [hbm4b:s12+s2], $0x80, $0x38;
	[tilespmem:$0x1A400] =	vst v63  }
0x100: {  	_ =	swait.ge [sflag:s8], $0x4000  }
0x101: {  	[sflag:s8] =	ssyncset.done $0x0  }
0x102: {  	s9 =	simm.s32 $0xC;
	[sflag:s8] =	ssyncadd.s32 $0xFFFFC000  }
0x103: {  	_ =	swait.ge [sflag:s9], $0x80  }
0x104: {  	p1 =	sge.u32 s11, s31;
	[sflag:s9] =	ssyncset.done $0x0  }
0x105: {  	s2 =	simm.s32 @!p1 $0xF;
	s10 =	rddreg [dreg:$0x19];
	[sflag:s9] =	ssyncadd.s32 $0xFFFFFF80  }
0x106: {  	[spmem:s4] =	stream.indirect.scatter.add.f32 [tilespmem:s10], [sflag:$0x12], $0x80, s7, s18, $0xb8;
	[tilespmem:$0x1A400] =	vst v63  }
0x107: {  	_ =	swait.ge @!p1 [sflag:s2], $0x4000  }
0x108: {  	s0 =	rddreg [dreg:$0xc];
	[sflag:s2] =	ssyncset.done @!p1 $0x0  }
0x109: {  	s11 =	rddreg [dreg:$0xb];
	[sflag:s2] =	ssyncadd.s32 @!p1 $0xFFFFC000  }
0x10a: {  	s0 =	sadd.s32 @!p1 s1, s0;
	s1 =	simm.s32 @!p1 $0x0;
	s2 =	simm.s32 @!p1 $0x8400  }
0x10b: {  	[tilespmem:s2], [sflag:$0x3] =	stream.linear.gather @!p1 [hbm4b:s0+s1], $0x4000, $0x38;
	[tilespmem:$0x1A400] =	vst v63  }
0x10c: {  	s0 =	sadd.s32 @!p1 s15, s11;
	s2 =	simm.s32 @!p1 $0x100  }
0x10d: {  	[tilespmem:s2], [sflag:$0x9] =	stream.linear.gather @!p1 [hbm4b:s0+s1], $0x80, $0x38;
	[tilespmem:$0x1A400] =	vst v63  }
0x10e: {  	s0 =	simm.s32 @!p0 $0x1  }
0x10f: {  	_ =	swait.ge @!p0 [sflag:s0], $0x4000  }
0x110: {  	[sflag:s0] =	ssyncset.done @!p0 $0x0  }
0x111: {  	[sflag:s0] =	ssyncadd.s32 @!p0 $0xFFFFC000;
	s0 =	simm.s32 @!p0 $0x7  }
0x112: {  	_ =	swait.ge @!p0 [sflag:s0], $0x80  }
0x113: {  	s12 =	simm.s32 $0xD;
	s1 =	simm.s32 @!p0 $0x0;
	[sflag:s0] =	ssyncset.done @!p0 $0x0  }
0x114: {  	s2 =	simm.s32 @!p0 $0x400;
	[sflag:s0] =	ssyncadd.s32 @!p0 $0xFFFFFF80;
	s0 =	simm.s32 @!p0 $0x80  }
0x115: {  	[spmem:s4] =	stream.indirect.scatter.add.f32 @!p0 [tilespmem:s2], [sflag:$0xD], $0x80, s1, s0, $0xb8;
	[tilespmem:$0x1A400] =	vst v63  }
0x116: {  	_ =	swait.ge [sflag:s12], $0x4000  }
0x117: {  	[sflag:s12] =	ssyncset.done $0x0  }
0x118: {  	s13 =	simm.s32 $0xE;
	[sflag:s12] =	ssyncadd.s32 $0xFFFFC000  }
0x119: {  	_ =	swait.ge [sflag:s13], $0x4000  }
0x11a: {  	[sflag:s13] =	ssyncset.done $0x0  }
0x11b: {  	s14 =	simm.s32 $0xF;
	[sflag:s13] =	ssyncadd.s32 $0xFFFFC000  }
0x11c: {  	_ =	swait.ge [sflag:s14], $0x4000  }
0x11d: {  	[sflag:s14] =	ssyncset.done $0x0  }
0x11e: {  	s15 =	simm.s32 $0x10;
	[sflag:s14] =	ssyncadd.s32 $0xFFFFC000  }
0x11f: {  	_ =	swait.ge [sflag:s15], $0x4000  }
0x120: {  	[sflag:s15] =	ssyncset.done $0x0  }
0x121: {  	s16 =	simm.s32 $0x11;
	[sflag:s15] =	ssyncadd.s32 $0xFFFFC000  }
0x122: {  	_ =	swait.ge [sflag:s16], $0x4000  }
0x123: {  	[sflag:s16] =	ssyncset.done $0x0  }
0x124: {  	s17 =	simm.s32 $0x12;
	[sflag:s16] =	ssyncadd.s32 $0xFFFFC000  }
0x125: {  	_ =	swait.ge [sflag:s17], $0x4000  }
0x126: {  	[sflag:s17] =	ssyncset.done $0x0  }
0x127: {  	[sflag:s17] =	ssyncadd.s32 $0xFFFFC000  }
0x128: {  	[bflag:$0x0] =	sbarrier.arrive $0xFFFF  }
0x129: {  	s2 =	sld [smem:$0x7FD]  }
0x12a: {  	s19 =	stileid.u32;
	s22 =	sld [smem:$0x7FB]  }
0x12b: {  	s0 =	sshll.u32 s19, $0x6  }
0x12c: {  	s0 =	sor.u32 $0x1C13, s0;
	s12 =	simm.s32 $0x13;
	s20 =	sshrl.u32 s2, $0x3  }
0x12d: {  	[hbm:s22], [sflag:s0] =	dma.local [spmem:s20], $0x200  }
0x12e: {  	_ =	swait.ge [sflag:s12], $0x200  }
0x12f: {  	s25 =	sld [smem:$0x7FA]  }
0x130: {  	s29 =	sld [smem:$0x7FC];
	_ =	sdelay $0x1  }
0x131: {  	s1 =	sadd.s32 $0x1, s25  }
0x132: {  	p1 =	sne.s32 s1, s29  }
.Ltmp2:
0x133: {  	_ = 	snop;
	(pc) =	sbr.rel @p1 .LBB2_1-.Ltmp2, $4  }
0x134: {  	s5 =	simm.s32 $0x0;
	s3 =	simm.s32 $0x7  }
0x135: {  	s8 =	simm.s32 $0x8;
	s9 =	simm.s32 $0x200;
	s7 =	simm.s32 $0x2  }
0x136: {  	s10 =	simm.s32 $0x3;
	s13 =	simm.s32 $0x1;
	[sflag:s12] =	ssyncset.done $0x0  }
0x137: {  	s15 =	simm.s32 $0x180;
	s17 =	simm.s32 $0x9;
	[sflag:s12] =	ssyncadd.s32 $0xFFFFFE00  }
0x138: {  	_ =	sfence.sel $0x180000  }
0x139: {  	[bflag:$0x0] =	sbarrier.arrive $0xFFFF  }
0x13a: {  	_ =	strace $0x90000047  }
0x13b: {  	s0 =	stileid.u32;
	[bflag:$0x2] =	sbarrier.arrive $0xFFFF  }
0x13c: {  	p0 =	sne.s32 s0, $0x0;
	s0 =	rddreg [dreg:$0x4]  }
0x13d: {  	s0 =	sadd.s32 @!p0 $0x100000, s0  }
0x13e: {  	[sflag:s0] =	ssyncadd.tile.s32 @!p0 $0x1;
	_ =	shalt  }
.Lfunc_end2:
_tile_overlayer_lowered:
.L_overlay_start_2:
0x13f: {  	(tag) =	ssettag $0x2  }
0x140: {  	s0 =	rddreg [dreg:$0x0];
	s2 =	stileid.u32  }
0x141: {  	s1 =	rddreg [dreg:$0x1];
	p0 =	sne.s32 s2, $0x0  }
0x142: {  	s3 =	rddreg [dreg:$0x2];
	[bflag:$0x3] =	sbarrier.arrive $0xFFFF;
	s2 =	simm.s32 @!p0 $0x1C13  }
0x143: {  	[timem:s3], [sflag:s2] =	dma.local @!p0 [hbm:s0], s1  }
0x144: {  	s0 =	simm.s32 @!p0 $0x13  }
0x145: {  	_ =	swait.ge @!p0 [sflag:s0], s1  }
0x146: {  	s1 =	ssub.s32 @!p0 $0x0, s1;
	[sflag:s0] =	ssyncset.done @!p0 $0x0  }
0x147: {  	[sflag:s0] =	ssyncadd.s32 @!p0 s1  }
0x148: {  	[bflag:$0x3] =	sbarrier.arrive $0xFFFF  }
0x149: {  	_ =	shalt  }

</sc_bundles>
